<compile_context>
chip_gen: v7x
topology: tpu7x:2x2x1
jax: 0.10.2.dev20260603
libtpu: 0.0.44.dev20260713+nightly
codegen_flags: <defaults>
</compile_context>

<pallas_src>
import functools

import jax
import jax.numpy as jnp
from jax import lax
from jax.experimental import pallas as pl
from jax.experimental.pallas import tpu as pltpu
from jax.experimental.pallas import tpu_sc as plsc

N_NODES = 10000
N_EDGES = 160000
D_FEAT = 256
DW = D_FEAT // 2

NC, NS, L = 2, 16, 16
WPB = DW // NS
E_PAD = 163840
EC = E_PAD // NC
CH = 4096
NCH = EC // CH
NG = CH // L
CPS = CH // NS

_mesh = plsc.VectorSubcoreMesh(core_axis_name="c", subcore_axis_name="s")


@functools.partial(
    pl.kernel,
    out_type=jax.ShapeDtypeStruct((NC, NCH, CH), jnp.float32),
    mesh=_mesh,
    scratch_types=[
        pltpu.VMEM((WPB, N_NODES), jnp.int32),
        pltpu.VMEM((2, CH), jnp.int32),
        pltpu.VMEM((2, CH), jnp.int32),
        pltpu.VMEM((CH,), jnp.float32),
        pltpu.VMEM((NS, CPS), jnp.float32),
        pltpu.VMEM((CPS,), jnp.float32),
        pltpu.VMEM_SHARED((2, NS, CH), jnp.float32),
        pltpu.SemaphoreType.DMA,
        pltpu.SemaphoreType.DMA,
    ],
    compiler_params=pltpu.CompilerParams(
        use_tc_tiling_on_sc=False, needs_layout_passes=False
    ),
)
def _sc_scores(
    hpk_hbm, u_hbm, v_hbm, out_hbm,
    tab, uv, vv, ps, rbuf, res, pbuf, si0, si1
):
    cid = lax.axis_index("c")
    sid = lax.axis_index("s")
    sis = (si0, si1)

    pltpu.sync_copy(hpk_hbm.at[sid], tab)

    def issue_idx(k, b):
        base = cid * EC + k * CH
        pltpu.async_copy(u_hbm.at[pl.ds(base, CH)], uv.at[b], sis[b])
        pltpu.async_copy(v_hbm.at[pl.ds(base, CH)], vv.at[b], sis[b])

    def wait_idx(b):
        pltpu.make_async_copy(u_hbm.at[pl.ds(0, CH)], uv.at[b], sis[b]).wait()
        pltpu.make_async_copy(v_hbm.at[pl.ds(0, CH)], vv.at[b], sis[b]).wait()

    def compute(b):
        @plsc.parallel_loop(0, NG, unroll=2)
        def _(g):
            uvec = uv[b, pl.ds(g * L, L)]
            vvec = vv[b, pl.ds(g * L, L)]
            a0 = jnp.zeros((L,), jnp.float32)
            a1 = jnp.zeros((L,), jnp.float32)
            for w in range(WPB):
                ws = jnp.full((L,), w, jnp.int32)
                aw = plsc.load_gather(tab, [ws, uvec])
                bw = plsc.load_gather(tab, [ws, vvec])
                p = plsc.bitcast(aw, jnp.bfloat16) * plsc.bitcast(
                    bw, jnp.bfloat16
                )
                p0, p1 = plsc.unpack(p, format=plsc.PackFormat.INTERLEAVED)
                a0 = a0 + p0
                a1 = a1 + p1
            ps[pl.ds(g * L, L)] = a0 + a1

    def reduce_and_store(k, b):
        pltpu.sync_copy(pbuf.at[b, :, pl.ds(sid * CPS, CPS)], rbuf)

        @plsc.parallel_loop(0, CPS // L)
        def _(j):
            s = rbuf[0, pl.ds(j * L, L)]
            for t in range(1, NS):
                s = s + rbuf[t, pl.ds(j * L, L)]
            res[pl.ds(j * L, L)] = s

        pltpu.sync_copy(res, out_hbm.at[cid, k, pl.ds(sid * CPS, CPS)])

    issue_idx(0, 0)

    def outer(k2, carry):
        for b in range(2):
            k = k2 * 2 + b

            @pl.when(k + 1 < NCH)
            def _():
                issue_idx(k + 1, (b + 1) % 2)

            wait_idx(b)
            compute(b)
            pltpu.sync_copy(ps, pbuf.at[b, sid])
            plsc.subcore_barrier()
            reduce_and_store(k, b)
        return carry

    lax.fori_loop(0, NCH // 2, outer, 0)


def kernel(h, edge_index):
    ei = edge_index.astype(jnp.int32)
    h_pk = lax.bitcast_convert_type(
        h.astype(jnp.bfloat16).reshape(N_NODES, DW, 2), jnp.int32
    )
    h_blk = h_pk.T.reshape(NS, WPB, N_NODES)
    pad = jnp.zeros((E_PAD - N_EDGES,), jnp.int32)
    u = jnp.concatenate([ei[0], pad])
    v = jnp.concatenate([ei[1], pad])
    scores = _sc_scores(h_blk, u, v)
    return scores.reshape(-1)[:N_EDGES]

# --- scband reference (transcript-rebuilt; emitter-appended) ---
"""Pipeline reference for scband-link-predict-dot-decoder-1906965479577 (READ-ONLY COPY).

The authoritative reference and input builder live on the scoring server;
editing this copy changes nothing except your own understanding.
"""

import jax, jax.numpy as jnp
import numpy as np

N_NODES = 10000
N_EDGES = 160000
D_FEAT = 256

def setup_inputs(seed: int = 0) -> dict:
    key = jax.random.key(seed)
    k1, k2 = jax.random.split(key)
    h = jax.random.normal(k1, (N_NODES, D_FEAT), dtype=jnp.float32)
    edge_index = jax.random.randint(k2, (2, N_EDGES), 0, N_NODES, dtype=jnp.int64)
    return {"h": h, "edge_index": edge_index}

def calc_dot_pos_score(src_emb, dest_emb):
    # dot product score per edge
    return jnp.sum(src_emb * dest_emb, axis=-1)

def reference(h, edge_index):
    # Homogeneous-graph equivalent of LinkPredictDotDecoder.forward:
    # for the single edge type, gather src/dst node embeddings and
    # compute the per-edge dot-product score, then concatenate
    # (single etype -> concatenation is identity).
    u = edge_index[0]
    v = edge_index[1]
    src_emb = jnp.take(h, u, axis=0)
    dest_emb = jnp.take(h, v, axis=0)
    scores = calc_dot_pos_score(src_emb, dest_emb)
    return scores

if __name__ == "__main__":
    import jax
    _d = setup_inputs()
    print(jax.jit(kernel)(*tuple(_d.values())))

</pallas_src>

<mosaic_0001>
#map = affine_map<(d0, d1) -> (0, 0, 0)>
#map1 = affine_map<(d0, d1) -> (0)>
module attributes {stable_mosaic.version = 14 : i64} {
  func.func @_sc_scores(%arg0: i32, %arg1: i32, %arg2: memref<16x8x10000xi32, #tpu.memory_space<hbm>>, %arg3: memref<163840xi32, #tpu.memory_space<hbm>>, %arg4: memref<163840xi32, #tpu.memory_space<hbm>>, %arg5: memref<2x20x4096xf32, #tpu.memory_space<hbm>>, %arg6: memref<8x10000xi32, #tpu.memory_space<vmem>>, %arg7: memref<2x4096xi32, #tpu.memory_space<vmem>>, %arg8: memref<2x4096xi32, #tpu.memory_space<vmem>>, %arg9: memref<4096xf32, #tpu.memory_space<vmem>>, %arg10: memref<16x256xf32, #tpu.memory_space<vmem>>, %arg11: memref<256xf32, #tpu.memory_space<vmem>>, %arg12: memref<2x16x4096xf32, #tpu.memory_space<vmem_shared>>, %arg13: memref<!tpu.dma_semaphore, #tpu.memory_space<semaphore_mem>>, %arg14: memref<!tpu.dma_semaphore, #tpu.memory_space<semaphore_mem>>) attributes {dimension_semantics = [#tpu.dimension_semantics<core_parallel>, #tpu.dimension_semantics<subcore_parallel>], iteration_bounds = array<i64: 2, 16>, scalar_prefetch = 0 : i64, scratch_operands = 9 : i64, tpu.core_type = #tpu.core_type<sc_vector_subcore>, window_params = [{transform_indices = #map}, {transform_indices = #map1}, {transform_indices = #map1}, {transform_indices = #map}]} {
    "tpu.region"() ({
      %run_scoped3A = tpu.sem_alloc : memref<!tpu.dma_semaphore, #tpu.memory_space<semaphore_mem>>
      %dma_start3A_24 = arith.constant 0 : i32
      %dma_start3A_25 = arith.constant 0 : i32
      %dma_start3A_26 = tpu.memref_slice %arg2[%arg1, %dma_start3A_24, %dma_start3A_25] : memref<16x8x10000xi32, #tpu.memory_space<hbm>> -> memref<1x8x10000xi32, #tpu.memory_space<hbm>>
      %dma_start3A_27 = tpu.memref_squeeze %dma_start3A_26 : memref<1x8x10000xi32, #tpu.memory_space<hbm>> -> memref<8x10000xi32, #tpu.memory_space<hbm>>
      %dma_start3A_28 = arith.constant 0 : i32
      %dma_start3A_29 = arith.constant 0 : i32
      %dma_start3A_30 = tpu.memref_slice %arg2[%arg1, %dma_start3A_28, %dma_start3A_29] : memref<16x8x10000xi32, #tpu.memory_space<hbm>> -> memref<1x8x10000xi32, #tpu.memory_space<hbm>>
      %dma_start3A_31 = tpu.memref_squeeze %dma_start3A_30 : memref<1x8x10000xi32, #tpu.memory_space<hbm>> -> memref<8x10000xi32, #tpu.memory_space<hbm>>
      tpu.enqueue_dma source(%dma_start3A_31 : memref<8x10000xi32, #tpu.memory_space<hbm>>) target(%arg6 : memref<8x10000xi32, #tpu.memory_space<vmem>>) target_semaphore(%run_scoped3A : memref<!tpu.dma_semaphore, #tpu.memory_space<semaphore_mem>>)
      %dma_wait3A = arith.constant 0 : i32
      %dma_wait3A_32 = arith.constant 0 : i32
      %dma_wait3A_33 = tpu.memref_slice %arg2[%arg1, %dma_wait3A, %dma_wait3A_32] : memref<16x8x10000xi32, #tpu.memory_space<hbm>> -> memref<1x8x10000xi32, #tpu.memory_space<hbm>>
      %dma_wait3A_34 = tpu.memref_squeeze %dma_wait3A_33 : memref<1x8x10000xi32, #tpu.memory_space<hbm>> -> memref<8x10000xi32, #tpu.memory_space<hbm>>
      %dma_wait3A_35 = arith.constant 0 : i32
      %dma_wait3A_36 = arith.constant 0 : i32
      %dma_wait3A_37 = tpu.memref_slice %arg2[%arg1, %dma_wait3A_35, %dma_wait3A_36] : memref<16x8x10000xi32, #tpu.memory_space<hbm>> -> memref<1x8x10000xi32, #tpu.memory_space<hbm>>
      %dma_wait3A_38 = tpu.memref_squeeze %dma_wait3A_37 : memref<1x8x10000xi32, #tpu.memory_space<hbm>> -> memref<8x10000xi32, #tpu.memory_space<hbm>>
      tpu.wait_dma2 semaphore(%run_scoped3A : memref<!tpu.dma_semaphore, #tpu.memory_space<semaphore_mem>>) src(%dma_wait3A_38 : memref<8x10000xi32, #tpu.memory_space<hbm>>) dst(%arg6 : memref<8x10000xi32, #tpu.memory_space<vmem>>)
      tpu.yield
    }) : () -> ()
    %mul3A = arith.constant 81920 : i32
    %mul3A_0 = arith.muli %arg0, %mul3A : i32
    %add3A = arith.constant 0 : i32
    %add3A_1 = arith.addi %mul3A_0, %add3A : i32
    %dma_start3A = arith.constant 0 : i32
    %dma_start3A_2 = arith.constant 0 : i32
    %dma_start3A_3 = tpu.memref_slice %arg7[%dma_start3A, %dma_start3A_2] : memref<2x4096xi32, #tpu.memory_space<vmem>> -> memref<1x4096xi32, #tpu.memory_space<vmem>>
    %dma_start3A_4 = tpu.memref_squeeze %dma_start3A_3 : memref<1x4096xi32, #tpu.memory_space<vmem>> -> memref<4096xi32, #tpu.memory_space<vmem>>
    %dma_start3A_5 = tpu.memref_slice %arg3[%add3A_1] : memref<163840xi32, #tpu.memory_space<hbm>> -> memref<4096xi32, #tpu.memory_space<hbm>>
    %dma_start3A_6 = arith.constant 0 : i32
    %dma_start3A_7 = tpu.memref_slice %arg7[%dma_start3A, %dma_start3A_6] : memref<2x4096xi32, #tpu.memory_space<vmem>> -> memref<1x4096xi32, #tpu.memory_space<vmem>>
    %dma_start3A_8 = tpu.memref_squeeze %dma_start3A_7 : memref<1x4096xi32, #tpu.memory_space<vmem>> -> memref<4096xi32, #tpu.memory_space<vmem>>
    %dma_start3A_9 = tpu.memref_slice %arg3[%add3A_1] : memref<163840xi32, #tpu.memory_space<hbm>> -> memref<4096xi32, #tpu.memory_space<hbm>>
    tpu.enqueue_dma source(%dma_start3A_9 : memref<4096xi32, #tpu.memory_space<hbm>>) target(%dma_start3A_8 : memref<4096xi32, #tpu.memory_space<vmem>>) target_semaphore(%arg13 : memref<!tpu.dma_semaphore, #tpu.memory_space<semaphore_mem>>)
    %dma_start3A_10 = arith.constant 0 : i32
    %dma_start3A_11 = arith.constant 0 : i32
    %dma_start3A_12 = tpu.memref_slice %arg8[%dma_start3A_10, %dma_start3A_11] : memref<2x4096xi32, #tpu.memory_space<vmem>> -> memref<1x4096xi32, #tpu.memory_space<vmem>>
    %dma_start3A_13 = tpu.memref_squeeze %dma_start3A_12 : memref<1x4096xi32, #tpu.memory_space<vmem>> -> memref<4096xi32, #tpu.memory_space<vmem>>
    %dma_start3A_14 = tpu.memref_slice %arg4[%add3A_1] : memref<163840xi32, #tpu.memory_space<hbm>> -> memref<4096xi32, #tpu.memory_space<hbm>>
    %dma_start3A_15 = arith.constant 0 : i32
    %dma_start3A_16 = tpu.memref_slice %arg8[%dma_start3A_10, %dma_start3A_15] : memref<2x4096xi32, #tpu.memory_space<vmem>> -> memref<1x4096xi32, #tpu.memory_space<vmem>>
    %dma_start3A_17 = tpu.memref_squeeze %dma_start3A_16 : memref<1x4096xi32, #tpu.memory_space<vmem>> -> memref<4096xi32, #tpu.memory_space<vmem>>
    %dma_start3A_18 = tpu.memref_slice %arg4[%add3A_1] : memref<163840xi32, #tpu.memory_space<hbm>> -> memref<4096xi32, #tpu.memory_space<hbm>>
    tpu.enqueue_dma source(%dma_start3A_18 : memref<4096xi32, #tpu.memory_space<hbm>>) target(%dma_start3A_17 : memref<4096xi32, #tpu.memory_space<vmem>>) target_semaphore(%arg13 : memref<!tpu.dma_semaphore, #tpu.memory_space<semaphore_mem>>)
    %scan3A = arith.constant 0 : i32
    %scan3A_19 = arith.constant 0 : i32
    %scan3A_20 = arith.constant 10 : i32
    %scan3A_21 = arith.addi %scan3A_19, %scan3A_20 : i32
    %scan3A_22 = arith.constant 1 : i32
    scf.for %scan3A_24 = %scan3A_19 to %scan3A_21 step %scan3A_22  : i32 {
      %mul3A_25 = arith.constant 2 : i32
      %mul3A_26 = arith.muli %scan3A_24, %mul3A_25 : i32
      %add3A_27 = arith.constant 0 : i32
      %add3A_28 = arith.addi %mul3A_26, %add3A_27 : i32
      %add3A_29 = arith.constant 1 : i32
      %add3A_30 = arith.addi %add3A_28, %add3A_29 : i32
      %lt3A = arith.constant 20 : i32
      %lt3A_31 = arith.cmpi slt, %add3A_30, %lt3A : i32
      %convert_element_type3A = arith.extui %lt3A_31 : i1 to i32
      %cond3A = arith.constant 0 : i32
      %cond3A_32 = arith.cmpi ne, %convert_element_type3A, %cond3A : i32
      scf.if %cond3A_32 {
        %add3A_110 = arith.constant 1 : i32
        %add3A_111 = arith.addi %add3A_28, %add3A_110 : i32
        %mul3A_112 = arith.constant 81920 : i32
        %mul3A_113 = arith.muli %arg0, %mul3A_112 : i32
        %mul3A_114 = arith.constant 4096 : i32
        %mul3A_115 = arith.muli %add3A_111, %mul3A_114 : i32
        %add3A_116 = arith.addi %mul3A_113, %mul3A_115 : i32
        %dma_start3A_117 = arith.constant 1 : i32
        %dma_start3A_118 = arith.constant 0 : i32
        %dma_start3A_119 = tpu.memref_slice %arg7[%dma_start3A_117, %dma_start3A_118] : memref<2x4096xi32, #tpu.memory_space<vmem>> -> memref<1x4096xi32, #tpu.memory_space<vmem>>
        %dma_start3A_120 = tpu.memref_squeeze %dma_start3A_119 : memref<1x4096xi32, #tpu.memory_space<vmem>> -> memref<4096xi32, #tpu.memory_space<vmem>>
        %dma_start3A_121 = tpu.memref_slice %arg3[%add3A_116] : memref<163840xi32, #tpu.memory_space<hbm>> -> memref<4096xi32, #tpu.memory_space<hbm>>
        %dma_start3A_122 = arith.constant 0 : i32
        %dma_start3A_123 = tpu.memref_slice %arg7[%dma_start3A_117, %dma_start3A_122] : memref<2x4096xi32, #tpu.memory_space<vmem>> -> memref<1x4096xi32, #tpu.memory_space<vmem>>
        %dma_start3A_124 = tpu.memref_squeeze %dma_start3A_123 : memref<1x4096xi32, #tpu.memory_space<vmem>> -> memref<4096xi32, #tpu.memory_space<vmem>>
        %dma_start3A_125 = tpu.memref_slice %arg3[%add3A_116] : memref<163840xi32, #tpu.memory_space<hbm>> -> memref<4096xi32, #tpu.memory_space<hbm>>
        tpu.enqueue_dma source(%dma_start3A_125 : memref<4096xi32, #tpu.memory_space<hbm>>) target(%dma_start3A_124 : memref<4096xi32, #tpu.memory_space<vmem>>) target_semaphore(%arg14 : memref<!tpu.dma_semaphore, #tpu.memory_space<semaphore_mem>>)
        %dma_start3A_126 = arith.constant 1 : i32
        %dma_start3A_127 = arith.constant 0 : i32
        %dma_start3A_128 = tpu.memref_slice %arg8[%dma_start3A_126, %dma_start3A_127] : memref<2x4096xi32, #tpu.memory_space<vmem>> -> memref<1x4096xi32, #tpu.memory_space<vmem>>
        %dma_start3A_129 = tpu.memref_squeeze %dma_start3A_128 : memref<1x4096xi32, #tpu.memory_space<vmem>> -> memref<4096xi32, #tpu.memory_space<vmem>>
        %dma_start3A_130 = tpu.memref_slice %arg4[%add3A_116] : memref<163840xi32, #tpu.memory_space<hbm>> -> memref<4096xi32, #tpu.memory_space<hbm>>
        %dma_start3A_131 = arith.constant 0 : i32
        %dma_start3A_132 = tpu.memref_slice %arg8[%dma_start3A_126, %dma_start3A_131] : memref<2x4096xi32, #tpu.memory_space<vmem>> -> memref<1x4096xi32, #tpu.memory_space<vmem>>
        %dma_start3A_133 = tpu.memref_squeeze %dma_start3A_132 : memref<1x4096xi32, #tpu.memory_space<vmem>> -> memref<4096xi32, #tpu.memory_space<vmem>>
        %dma_start3A_134 = tpu.memref_slice %arg4[%add3A_116] : memref<163840xi32, #tpu.memory_space<hbm>> -> memref<4096xi32, #tpu.memory_space<hbm>>
        tpu.enqueue_dma source(%dma_start3A_134 : memref<4096xi32, #tpu.memory_space<hbm>>) target(%dma_start3A_133 : memref<4096xi32, #tpu.memory_space<vmem>>) target_semaphore(%arg14 : memref<!tpu.dma_semaphore, #tpu.memory_space<semaphore_mem>>)
      } else {
      }
      %dma_wait3A = arith.constant 0 : i32
      %dma_wait3A_33 = arith.constant 0 : i32
      %dma_wait3A_34 = tpu.memref_slice %arg7[%dma_wait3A, %dma_wait3A_33] : memref<2x4096xi32, #tpu.memory_space<vmem>> -> memref<1x4096xi32, #tpu.memory_space<vmem>>
      %dma_wait3A_35 = tpu.memref_squeeze %dma_wait3A_34 : memref<1x4096xi32, #tpu.memory_space<vmem>> -> memref<4096xi32, #tpu.memory_space<vmem>>
      %dma_wait3A_36 = arith.constant 0 : i32
      %dma_wait3A_37 = tpu.memref_slice %arg3[%dma_wait3A_36] : memref<163840xi32, #tpu.memory_space<hbm>> -> memref<4096xi32, #tpu.memory_space<hbm>>
      %dma_wait3A_38 = arith.constant 0 : i32
      %dma_wait3A_39 = tpu.memref_slice %arg7[%dma_wait3A, %dma_wait3A_38] : memref<2x4096xi32, #tpu.memory_space<vmem>> -> memref<1x4096xi32, #tpu.memory_space<vmem>>
      %dma_wait3A_40 = tpu.memref_squeeze %dma_wait3A_39 : memref<1x4096xi32, #tpu.memory_space<vmem>> -> memref<4096xi32, #tpu.memory_space<vmem>>
      %dma_wait3A_41 = arith.constant 0 : i32
      %dma_wait3A_42 = tpu.memref_slice %arg3[%dma_wait3A_41] : memref<163840xi32, #tpu.memory_space<hbm>> -> memref<4096xi32, #tpu.memory_space<hbm>>
      tpu.wait_dma2 semaphore(%arg13 : memref<!tpu.dma_semaphore, #tpu.memory_space<semaphore_mem>>) src(%dma_wait3A_42 : memref<4096xi32, #tpu.memory_space<hbm>>) dst(%dma_wait3A_40 : memref<4096xi32, #tpu.memory_space<vmem>>)
      %dma_wait3A_43 = arith.constant 0 : i32
      %dma_wait3A_44 = arith.constant 0 : i32
      %dma_wait3A_45 = tpu.memref_slice %arg8[%dma_wait3A_43, %dma_wait3A_44] : memref<2x4096xi32, #tpu.memory_space<vmem>> -> memref<1x4096xi32, #tpu.memory_space<vmem>>
      %dma_wait3A_46 = tpu.memref_squeeze %dma_wait3A_45 : memref<1x4096xi32, #tpu.memory_space<vmem>> -> memref<4096xi32, #tpu.memory_space<vmem>>
      %dma_wait3A_47 = arith.constant 0 : i32
      %dma_wait3A_48 = tpu.memref_slice %arg4[%dma_wait3A_47] : memref<163840xi32, #tpu.memory_space<hbm>> -> memref<4096xi32, #tpu.memory_space<hbm>>
      %dma_wait3A_49 = arith.constant 0 : i32
      %dma_wait3A_50 = tpu.memref_slice %arg8[%dma_wait3A_43, %dma_wait3A_49] : memref<2x4096xi32, #tpu.memory_space<vmem>> -> memref<1x4096xi32, #tpu.memory_space<vmem>>
      %dma_wait3A_51 = tpu.memref_squeeze %dma_wait3A_50 : memref<1x4096xi32, #tpu.memory_space<vmem>> -> memref<4096xi32, #tpu.memory_space<vmem>>
      %dma_wait3A_52 = arith.constant 0 : i32
      %dma_wait3A_53 = tpu.memref_slice %arg4[%dma_wait3A_52] : memref<163840xi32, #tpu.memory_space<hbm>> -> memref<4096xi32, #tpu.memory_space<hbm>>
      tpu.wait_dma2 semaphore(%arg13 : memref<!tpu.dma_semaphore, #tpu.memory_space<semaphore_mem>>) src(%dma_wait3A_53 : memref<4096xi32, #tpu.memory_space<hbm>>) dst(%dma_wait3A_51 : memref<4096xi32, #tpu.memory_space<vmem>>)
      %parallel_loop3A = arith.constant 0 : i32
      %parallel_loop3A_54 = arith.constant 256 : i32
      %parallel_loop3A_55 = arith.constant 1 : i32
      scf.for %parallel_loop3A_110 = %parallel_loop3A to %parallel_loop3A_54 step %parallel_loop3A_55  : i32 {
        %parallel_loop3A_111 = arith.constant 16 : i32
        %parallel_loop3A_112 = arith.muli %parallel_loop3A_110, %parallel_loop3A_111 : i32
        %parallel_loop3A_113 = arith.constant 0 : i32
        %parallel_loop3A_114 = arith.index_cast %parallel_loop3A_113 : i32 to index
        %parallel_loop3A_115 = arith.index_cast %parallel_loop3A_112 : i32 to index
        %parallel_loop3A_116 = tpu.vector_load %arg7[%parallel_loop3A_114, %parallel_loop3A_115] {strides = array<i32>} : memref<2x4096xi32, #tpu.memory_space<vmem>>, vector<16xi32>,
        %parallel_loop3A_117 = arith.constant 16 : i32
        %parallel_loop3A_118 = arith.muli %parallel_loop3A_110, %parallel_loop3A_117 : i32
        %parallel_loop3A_119 = arith.constant 0 : i32
        %parallel_loop3A_120 = arith.index_cast %parallel_loop3A_119 : i32 to index
        %parallel_loop3A_121 = arith.index_cast %parallel_loop3A_118 : i32 to index
        %parallel_loop3A_122 = tpu.vector_load %arg8[%parallel_loop3A_120, %parallel_loop3A_121] {strides = array<i32>} : memref<2x4096xi32, #tpu.memory_space<vmem>>, vector<16xi32>,
        %parallel_loop3A_123 = arith.constant 0.000000e+00 : f32
        %parallel_loop3A_124 = vector.broadcast %parallel_loop3A_123 : f32 to vector<16xf32>
        %parallel_loop3A_125 = arith.constant 0.000000e+00 : f32
        %parallel_loop3A_126 = vector.broadcast %parallel_loop3A_125 : f32 to vector<16xf32>
        %parallel_loop3A_127 = arith.constant 0 : i32
        %parallel_loop3A_128 = vector.broadcast %parallel_loop3A_127 : i32 to vector<16xi32>
        %parallel_loop3A_129 = tpu.vector_load_idx %arg6[%parallel_loop3A_128, %parallel_loop3A_116] : memref<8x10000xi32, #tpu.memory_space<vmem>>[vector<16xi32>, vector<16xi32>], vector<16xi32>,
        %parallel_loop3A_130 = tpu.vector_load_idx %arg6[%parallel_loop3A_128, %parallel_loop3A_122] : memref<8x10000xi32, #tpu.memory_space<vmem>>[vector<16xi32>, vector<16xi32>], vector<16xi32>,
        %parallel_loop3A_131 = vector.bitcast %parallel_loop3A_129 : vector<16xi32> to vector<32xbf16>
        %parallel_loop3A_132 = vector.bitcast %parallel_loop3A_130 : vector<16xi32> to vector<32xbf16>
        %parallel_loop3A_133 = arith.mulf %parallel_loop3A_131, %parallel_loop3A_132 : vector<32xbf16>
        %parallel_loop3A_134 = tpu.unpack_subelements %parallel_loop3A_133, 0 {pack_format = #tpu.pack_format<interleaved>} : vector<32xbf16> -> vector<16xf32>
        %parallel_loop3A_135 = tpu.unpack_subelements %parallel_loop3A_133, 1 {pack_format = #tpu.pack_format<interleaved>} : vector<32xbf16> -> vector<16xf32>
        %parallel_loop3A_136 = arith.addf %parallel_loop3A_124, %parallel_loop3A_134 : vector<16xf32>
        %parallel_loop3A_137 = arith.addf %parallel_loop3A_126, %parallel_loop3A_135 : vector<16xf32>
        %parallel_loop3A_138 = arith.constant 1 : i32
        %parallel_loop3A_139 = vector.broadcast %parallel_loop3A_138 : i32 to vector<16xi32>
        %parallel_loop3A_140 = tpu.vector_load_idx %arg6[%parallel_loop3A_139, %parallel_loop3A_116] : memref<8x10000xi32, #tpu.memory_space<vmem>>[vector<16xi32>, vector<16xi32>], vector<16xi32>,
        %parallel_loop3A_141 = tpu.vector_load_idx %arg6[%parallel_loop3A_139, %parallel_loop3A_122] : memref<8x10000xi32, #tpu.memory_space<vmem>>[vector<16xi32>, vector<16xi32>], vector<16xi32>,
        %parallel_loop3A_142 = vector.bitcast %parallel_loop3A_140 : vector<16xi32> to vector<32xbf16>
        %parallel_loop3A_143 = vector.bitcast %parallel_loop3A_141 : vector<16xi32> to vector<32xbf16>
        %parallel_loop3A_144 = arith.mulf %parallel_loop3A_142, %parallel_loop3A_143 : vector<32xbf16>
        %parallel_loop3A_145 = tpu.unpack_subelements %parallel_loop3A_144, 0 {pack_format = #tpu.pack_format<interleaved>} : vector<32xbf16> -> vector<16xf32>
        %parallel_loop3A_146 = tpu.unpack_subelements %parallel_loop3A_144, 1 {pack_format = #tpu.pack_format<interleaved>} : vector<32xbf16> -> vector<16xf32>
        %parallel_loop3A_147 = arith.addf %parallel_loop3A_136, %parallel_loop3A_145 : vector<16xf32>
        %parallel_loop3A_148 = arith.addf %parallel_loop3A_137, %parallel_loop3A_146 : vector<16xf32>
        %parallel_loop3A_149 = arith.constant 2 : i32
        %parallel_loop3A_150 = vector.broadcast %parallel_loop3A_149 : i32 to vector<16xi32>
        %parallel_loop3A_151 = tpu.vector_load_idx %arg6[%parallel_loop3A_150, %parallel_loop3A_116] : memref<8x10000xi32, #tpu.memory_space<vmem>>[vector<16xi32>, vector<16xi32>], vector<16xi32>,
        %parallel_loop3A_152 = tpu.vector_load_idx %arg6[%parallel_loop3A_150, %parallel_loop3A_122] : memref<8x10000xi32, #tpu.memory_space<vmem>>[vector<16xi32>, vector<16xi32>], vector<16xi32>,
        %parallel_loop3A_153 = vector.bitcast %parallel_loop3A_151 : vector<16xi32> to vector<32xbf16>
        %parallel_loop3A_154 = vector.bitcast %parallel_loop3A_152 : vector<16xi32> to vector<32xbf16>
        %parallel_loop3A_155 = arith.mulf %parallel_loop3A_153, %parallel_loop3A_154 : vector<32xbf16>
        %parallel_loop3A_156 = tpu.unpack_subelements %parallel_loop3A_155, 0 {pack_format = #tpu.pack_format<interleaved>} : vector<32xbf16> -> vector<16xf32>
        %parallel_loop3A_157 = tpu.unpack_subelements %parallel_loop3A_155, 1 {pack_format = #tpu.pack_format<interleaved>} : vector<32xbf16> -> vector<16xf32>
        %parallel_loop3A_158 = arith.addf %parallel_loop3A_147, %parallel_loop3A_156 : vector<16xf32>
        %parallel_loop3A_159 = arith.addf %parallel_loop3A_148, %parallel_loop3A_157 : vector<16xf32>
        %parallel_loop3A_160 = arith.constant 3 : i32
        %parallel_loop3A_161 = vector.broadcast %parallel_loop3A_160 : i32 to vector<16xi32>
        %parallel_loop3A_162 = tpu.vector_load_idx %arg6[%parallel_loop3A_161, %parallel_loop3A_116] : memref<8x10000xi32, #tpu.memory_space<vmem>>[vector<16xi32>, vector<16xi32>], vector<16xi32>,
        %parallel_loop3A_163 = tpu.vector_load_idx %arg6[%parallel_loop3A_161, %parallel_loop3A_122] : memref<8x10000xi32, #tpu.memory_space<vmem>>[vector<16xi32>, vector<16xi32>], vector<16xi32>,
        %parallel_loop3A_164 = vector.bitcast %parallel_loop3A_162 : vector<16xi32> to vector<32xbf16>
        %parallel_loop3A_165 = vector.bitcast %parallel_loop3A_163 : vector<16xi32> to vector<32xbf16>
        %parallel_loop3A_166 = arith.mulf %parallel_loop3A_164, %parallel_loop3A_165 : vector<32xbf16>
        %parallel_loop3A_167 = tpu.unpack_subelements %parallel_loop3A_166, 0 {pack_format = #tpu.pack_format<interleaved>} : vector<32xbf16> -> vector<16xf32>
        %parallel_loop3A_168 = tpu.unpack_subelements %parallel_loop3A_166, 1 {pack_format = #tpu.pack_format<interleaved>} : vector<32xbf16> -> vector<16xf32>
        %parallel_loop3A_169 = arith.addf %parallel_loop3A_158, %parallel_loop3A_167 : vector<16xf32>
        %parallel_loop3A_170 = arith.addf %parallel_loop3A_159, %parallel_loop3A_168 : vector<16xf32>
        %parallel_loop3A_171 = arith.constant 4 : i32
        %parallel_loop3A_172 = vector.broadcast %parallel_loop3A_171 : i32 to vector<16xi32>
        %parallel_loop3A_173 = tpu.vector_load_idx %arg6[%parallel_loop3A_172, %parallel_loop3A_116] : memref<8x10000xi32, #tpu.memory_space<vmem>>[vector<16xi32>, vector<16xi32>], vector<16xi32>,
        %parallel_loop3A_174 = tpu.vector_load_idx %arg6[%parallel_loop3A_172, %parallel_loop3A_122] : memref<8x10000xi32, #tpu.memory_space<vmem>>[vector<16xi32>, vector<16xi32>], vector<16xi32>,
        %parallel_loop3A_175 = vector.bitcast %parallel_loop3A_173 : vector<16xi32> to vector<32xbf16>
        %parallel_loop3A_176 = vector.bitcast %parallel_loop3A_174 : vector<16xi32> to vector<32xbf16>
        %parallel_loop3A_177 = arith.mulf %parallel_loop3A_175, %parallel_loop3A_176 : vector<32xbf16>
        %parallel_loop3A_178 = tpu.unpack_subelements %parallel_loop3A_177, 0 {pack_format = #tpu.pack_format<interleaved>} : vector<32xbf16> -> vector<16xf32>
        %parallel_loop3A_179 = tpu.unpack_subelements %parallel_loop3A_177, 1 {pack_format = #tpu.pack_format<interleaved>} : vector<32xbf16> -> vector<16xf32>
        %parallel_loop3A_180 = arith.addf %parallel_loop3A_169, %parallel_loop3A_178 : vector<16xf32>
        %parallel_loop3A_181 = arith.addf %parallel_loop3A_170, %parallel_loop3A_179 : vector<16xf32>
        %parallel_loop3A_182 = arith.constant 5 : i32
        %parallel_loop3A_183 = vector.broadcast %parallel_loop3A_182 : i32 to vector<16xi32>
        %parallel_loop3A_184 = tpu.vector_load_idx %arg6[%parallel_loop3A_183, %parallel_loop3A_116] : memref<8x10000xi32, #tpu.memory_space<vmem>>[vector<16xi32>, vector<16xi32>], vector<16xi32>,
        %parallel_loop3A_185 = tpu.vector_load_idx %arg6[%parallel_loop3A_183, %parallel_loop3A_122] : memref<8x10000xi32, #tpu.memory_space<vmem>>[vector<16xi32>, vector<16xi32>], vector<16xi32>,
        %parallel_loop3A_186 = vector.bitcast %parallel_loop3A_184 : vector<16xi32> to vector<32xbf16>
        %parallel_loop3A_187 = vector.bitcast %parallel_loop3A_185 : vector<16xi32> to vector<32xbf16>
        %parallel_loop3A_188 = arith.mulf %parallel_loop3A_186, %parallel_loop3A_187 : vector<32xbf16>
        %parallel_loop3A_189 = tpu.unpack_subelements %parallel_loop3A_188, 0 {pack_format = #tpu.pack_format<interleaved>} : vector<32xbf16> -> vector<16xf32>
        %parallel_loop3A_190 = tpu.unpack_subelements %parallel_loop3A_188, 1 {pack_format = #tpu.pack_format<interleaved>} : vector<32xbf16> -> vector<16xf32>
        %parallel_loop3A_191 = arith.addf %parallel_loop3A_180, %parallel_loop3A_189 : vector<16xf32>
        %parallel_loop3A_192 = arith.addf %parallel_loop3A_181, %parallel_loop3A_190 : vector<16xf32>
        %parallel_loop3A_193 = arith.constant 6 : i32
        %parallel_loop3A_194 = vector.broadcast %parallel_loop3A_193 : i32 to vector<16xi32>
        %parallel_loop3A_195 = tpu.vector_load_idx %arg6[%parallel_loop3A_194, %parallel_loop3A_116] : memref<8x10000xi32, #tpu.memory_space<vmem>>[vector<16xi32>, vector<16xi32>], vector<16xi32>,
        %parallel_loop3A_196 = tpu.vector_load_idx %arg6[%parallel_loop3A_194, %parallel_loop3A_122] : memref<8x10000xi32, #tpu.memory_space<vmem>>[vector<16xi32>, vector<16xi32>], vector<16xi32>,
        %parallel_loop3A_197 = vector.bitcast %parallel_loop3A_195 : vector<16xi32> to vector<32xbf16>
        %parallel_loop3A_198 = vector.bitcast %parallel_loop3A_196 : vector<16xi32> to vector<32xbf16>
        %parallel_loop3A_199 = arith.mulf %parallel_loop3A_197, %parallel_loop3A_198 : vector<32xbf16>
        %parallel_loop3A_200 = tpu.unpack_subelements %parallel_loop3A_199, 0 {pack_format = #tpu.pack_format<interleaved>} : vector<32xbf16> -> vector<16xf32>
        %parallel_loop3A_201 = tpu.unpack_subelements %parallel_loop3A_199, 1 {pack_format = #tpu.pack_format<interleaved>} : vector<32xbf16> -> vector<16xf32>
        %parallel_loop3A_202 = arith.addf %parallel_loop3A_191, %parallel_loop3A_200 : vector<16xf32>
        %parallel_loop3A_203 = arith.addf %parallel_loop3A_192, %parallel_loop3A_201 : vector<16xf32>
        %parallel_loop3A_204 = arith.constant 7 : i32
        %parallel_loop3A_205 = vector.broadcast %parallel_loop3A_204 : i32 to vector<16xi32>
        %parallel_loop3A_206 = tpu.vector_load_idx %arg6[%parallel_loop3A_205, %parallel_loop3A_116] : memref<8x10000xi32, #tpu.memory_space<vmem>>[vector<16xi32>, vector<16xi32>], vector<16xi32>,
        %parallel_loop3A_207 = tpu.vector_load_idx %arg6[%parallel_loop3A_205, %parallel_loop3A_122] : memref<8x10000xi32, #tpu.memory_space<vmem>>[vector<16xi32>, vector<16xi32>], vector<16xi32>,
        %parallel_loop3A_208 = vector.bitcast %parallel_loop3A_206 : vector<16xi32> to vector<32xbf16>
        %parallel_loop3A_209 = vector.bitcast %parallel_loop3A_207 : vector<16xi32> to vector<32xbf16>
        %parallel_loop3A_210 = arith.mulf %parallel_loop3A_208, %parallel_loop3A_209 : vector<32xbf16>
        %parallel_loop3A_211 = tpu.unpack_subelements %parallel_loop3A_210, 0 {pack_format = #tpu.pack_format<interleaved>} : vector<32xbf16> -> vector<16xf32>
        %parallel_loop3A_212 = tpu.unpack_subelements %parallel_loop3A_210, 1 {pack_format = #tpu.pack_format<interleaved>} : vector<32xbf16> -> vector<16xf32>
        %parallel_loop3A_213 = arith.addf %parallel_loop3A_202, %parallel_loop3A_211 : vector<16xf32>
        %parallel_loop3A_214 = arith.addf %parallel_loop3A_203, %parallel_loop3A_212 : vector<16xf32>
        %parallel_loop3A_215 = arith.addf %parallel_loop3A_213, %parallel_loop3A_214 : vector<16xf32>
        %parallel_loop3A_216 = arith.constant 16 : i32
        %parallel_loop3A_217 = arith.muli %parallel_loop3A_110, %parallel_loop3A_216 : i32
        %parallel_loop3A_218 = arith.index_cast %parallel_loop3A_217 : i32 to index
        %parallel_loop3A_219 = tpu.vector_load %arg9[%parallel_loop3A_218] {strides = array<i32>} : memref<4096xf32, #tpu.memory_space<vmem>>, vector<16xf32>,
        tpu.vector_store %arg9[%parallel_loop3A_218], %parallel_loop3A_215 {strides = array<i32>} : memref<4096xf32, #tpu.memory_space<vmem>>, vector<16xf32>,
      } {sc.loop_unroll_factor = 2 : i64, sc.parallel_access}
      %run_scoped3A = arith.constant 0 : i32
      "tpu.region"() ({
        %run_scoped3A_110 = tpu.sem_alloc : memref<!tpu.dma_semaphore, #tpu.memory_space<semaphore_mem>>
        %dma_start3A_111 = arith.constant 0 : i32
        %dma_start3A_112 = tpu.memref_slice %arg12[%run_scoped3A, %arg1, %dma_start3A_111] : memref<2x16x4096xf32, #tpu.memory_space<vmem_shared>> -> memref<1x1x4096xf32, #tpu.memory_space<vmem_shared>>
        %dma_start3A_113 = tpu.memref_squeeze %dma_start3A_112 : memref<1x1x4096xf32, #tpu.memory_space<vmem_shared>> -> memref<4096xf32, #tpu.memory_space<vmem_shared>>
        %dma_start3A_114 = arith.constant 0 : i32
        %dma_start3A_115 = tpu.memref_slice %arg12[%run_scoped3A, %arg1, %dma_start3A_114] : memref<2x16x4096xf32, #tpu.memory_space<vmem_shared>> -> memref<1x1x4096xf32, #tpu.memory_space<vmem_shared>>
        %dma_start3A_116 = tpu.memref_squeeze %dma_start3A_115 : memref<1x1x4096xf32, #tpu.memory_space<vmem_shared>> -> memref<4096xf32, #tpu.memory_space<vmem_shared>>
        tpu.enqueue_dma source(%arg9 : memref<4096xf32, #tpu.memory_space<vmem>>) target(%dma_start3A_116 : memref<4096xf32, #tpu.memory_space<vmem_shared>>) target_semaphore(%run_scoped3A_110 : memref<!tpu.dma_semaphore, #tpu.memory_space<semaphore_mem>>)
        %dma_wait3A_117 = arith.constant 0 : i32
        %dma_wait3A_118 = tpu.memref_slice %arg12[%run_scoped3A, %arg1, %dma_wait3A_117] : memref<2x16x4096xf32, #tpu.memory_space<vmem_shared>> -> memref<1x1x4096xf32, #tpu.memory_space<vmem_shared>>
        %dma_wait3A_119 = tpu.memref_squeeze %dma_wait3A_118 : memref<1x1x4096xf32, #tpu.memory_space<vmem_shared>> -> memref<4096xf32, #tpu.memory_space<vmem_shared>>
        %dma_wait3A_120 = arith.constant 0 : i32
        %dma_wait3A_121 = tpu.memref_slice %arg12[%run_scoped3A, %arg1, %dma_wait3A_120] : memref<2x16x4096xf32, #tpu.memory_space<vmem_shared>> -> memref<1x1x4096xf32, #tpu.memory_space<vmem_shared>>
        %dma_wait3A_122 = tpu.memref_squeeze %dma_wait3A_121 : memref<1x1x4096xf32, #tpu.memory_space<vmem_shared>> -> memref<4096xf32, #tpu.memory_space<vmem_shared>>
        tpu.wait_dma2 semaphore(%run_scoped3A_110 : memref<!tpu.dma_semaphore, #tpu.memory_space<semaphore_mem>>) src(%arg9 : memref<4096xf32, #tpu.memory_space<vmem>>) dst(%dma_wait3A_122 : memref<4096xf32, #tpu.memory_space<vmem_shared>>)
        tpu.yield
      }) : () -> ()
      %barrier3A = arith.constant 0 : index
      tpu.barrier barrier_id(%barrier3A)
      %mul3A_56 = arith.constant 256 : i32
      %mul3A_57 = arith.muli %arg1, %mul3A_56 : i32
      %run_scoped3A_58 = arith.constant 0 : i32
      "tpu.region"() ({
        %run_scoped3A_110 = tpu.sem_alloc : memref<!tpu.dma_semaphore, #tpu.memory_space<semaphore_mem>>
        %dma_start3A_111 = arith.constant 0 : i32
        %dma_start3A_112 = tpu.memref_slice %arg12[%run_scoped3A_58, %dma_start3A_111, %mul3A_57] : memref<2x16x4096xf32, #tpu.memory_space<vmem_shared>> -> memref<1x16x256xf32, #tpu.memory_space<vmem_shared>>
        %dma_start3A_113 = tpu.memref_squeeze %dma_start3A_112 : memref<1x16x256xf32, #tpu.memory_space<vmem_shared>> -> memref<16x256xf32, #tpu.memory_space<vmem_shared>>
        %dma_start3A_114 = arith.constant 0 : i32
        %dma_start3A_115 = tpu.memref_slice %arg12[%run_scoped3A_58, %dma_start3A_114, %mul3A_57] : memref<2x16x4096xf32, #tpu.memory_space<vmem_shared>> -> memref<1x16x256xf32, #tpu.memory_space<vmem_shared>>
        %dma_start3A_116 = tpu.memref_squeeze %dma_start3A_115 : memref<1x16x256xf32, #tpu.memory_space<vmem_shared>> -> memref<16x256xf32, #tpu.memory_space<vmem_shared>>
        tpu.enqueue_dma source(%dma_start3A_116 : memref<16x256xf32, #tpu.memory_space<vmem_shared>>) target(%arg10 : memref<16x256xf32, #tpu.memory_space<vmem>>) target_semaphore(%run_scoped3A_110 : memref<!tpu.dma_semaphore, #tpu.memory_space<semaphore_mem>>)
        %dma_wait3A_117 = arith.constant 0 : i32
        %dma_wait3A_118 = tpu.memref_slice %arg12[%run_scoped3A_58, %dma_wait3A_117, %mul3A_57] : memref<2x16x4096xf32, #tpu.memory_space<vmem_shared>> -> memref<1x16x256xf32, #tpu.memory_space<vmem_shared>>
        %dma_wait3A_119 = tpu.memref_squeeze %dma_wait3A_118 : memref<1x16x256xf32, #tpu.memory_space<vmem_shared>> -> memref<16x256xf32, #tpu.memory_space<vmem_shared>>
        %dma_wait3A_120 = arith.constant 0 : i32
        %dma_wait3A_121 = tpu.memref_slice %arg12[%run_scoped3A_58, %dma_wait3A_120, %mul3A_57] : memref<2x16x4096xf32, #tpu.memory_space<vmem_shared>> -> memref<1x16x256xf32, #tpu.memory_space<vmem_shared>>
        %dma_wait3A_122 = tpu.memref_squeeze %dma_wait3A_121 : memref<1x16x256xf32, #tpu.memory_space<vmem_shared>> -> memref<16x256xf32, #tpu.memory_space<vmem_shared>>
        tpu.wait_dma2 semaphore(%run_scoped3A_110 : memref<!tpu.dma_semaphore, #tpu.memory_space<semaphore_mem>>) src(%dma_wait3A_122 : memref<16x256xf32, #tpu.memory_space<vmem_shared>>) dst(%arg10 : memref<16x256xf32, #tpu.memory_space<vmem>>)
        tpu.yield
      }) : () -> ()
      %parallel_loop3A_59 = arith.constant 0 : i32
      %parallel_loop3A_60 = arith.constant 16 : i32
      %parallel_loop3A_61 = arith.constant 1 : i32
      scf.for %parallel_loop3A_110 = %parallel_loop3A_59 to %parallel_loop3A_60 step %parallel_loop3A_61  : i32 {
        %parallel_loop3A_111 = arith.constant 16 : i32
        %parallel_loop3A_112 = arith.muli %parallel_loop3A_110, %parallel_loop3A_111 : i32
        %parallel_loop3A_113 = arith.constant 0 : i32
        %parallel_loop3A_114 = arith.index_cast %parallel_loop3A_113 : i32 to index
        %parallel_loop3A_115 = arith.index_cast %parallel_loop3A_112 : i32 to index
        %parallel_loop3A_116 = tpu.vector_load %arg10[%parallel_loop3A_114, %parallel_loop3A_115] {strides = array<i32>} : memref<16x256xf32, #tpu.memory_space<vmem>>, vector<16xf32>,
        %parallel_loop3A_117 = arith.constant 16 : i32
        %parallel_loop3A_118 = arith.muli %parallel_loop3A_110, %parallel_loop3A_117 : i32
        %parallel_loop3A_119 = arith.constant 1 : i32
        %parallel_loop3A_120 = arith.index_cast %parallel_loop3A_119 : i32 to index
        %parallel_loop3A_121 = arith.index_cast %parallel_loop3A_118 : i32 to index
        %parallel_loop3A_122 = tpu.vector_load %arg10[%parallel_loop3A_120, %parallel_loop3A_121] {strides = array<i32>} : memref<16x256xf32, #tpu.memory_space<vmem>>, vector<16xf32>,
        %parallel_loop3A_123 = arith.addf %parallel_loop3A_116, %parallel_loop3A_122 : vector<16xf32>
        %parallel_loop3A_124 = arith.constant 16 : i32
        %parallel_loop3A_125 = arith.muli %parallel_loop3A_110, %parallel_loop3A_124 : i32
        %parallel_loop3A_126 = arith.constant 2 : i32
        %parallel_loop3A_127 = arith.index_cast %parallel_loop3A_126 : i32 to index
        %parallel_loop3A_128 = arith.index_cast %parallel_loop3A_125 : i32 to index
        %parallel_loop3A_129 = tpu.vector_load %arg10[%parallel_loop3A_127, %parallel_loop3A_128] {strides = array<i32>} : memref<16x256xf32, #tpu.memory_space<vmem>>, vector<16xf32>,
        %parallel_loop3A_130 = arith.addf %parallel_loop3A_123, %parallel_loop3A_129 : vector<16xf32>
        %parallel_loop3A_131 = arith.constant 16 : i32
        %parallel_loop3A_132 = arith.muli %parallel_loop3A_110, %parallel_loop3A_131 : i32
        %parallel_loop3A_133 = arith.constant 3 : i32
        %parallel_loop3A_134 = arith.index_cast %parallel_loop3A_133 : i32 to index
        %parallel_loop3A_135 = arith.index_cast %parallel_loop3A_132 : i32 to index
        %parallel_loop3A_136 = tpu.vector_load %arg10[%parallel_loop3A_134, %parallel_loop3A_135] {strides = array<i32>} : memref<16x256xf32, #tpu.memory_space<vmem>>, vector<16xf32>,
        %parallel_loop3A_137 = arith.addf %parallel_loop3A_130, %parallel_loop3A_136 : vector<16xf32>
        %parallel_loop3A_138 = arith.constant 16 : i32
        %parallel_loop3A_139 = arith.muli %parallel_loop3A_110, %parallel_loop3A_138 : i32
        %parallel_loop3A_140 = arith.constant 4 : i32
        %parallel_loop3A_141 = arith.index_cast %parallel_loop3A_140 : i32 to index
        %parallel_loop3A_142 = arith.index_cast %parallel_loop3A_139 : i32 to index
        %parallel_loop3A_143 = tpu.vector_load %arg10[%parallel_loop3A_141, %parallel_loop3A_142] {strides = array<i32>} : memref<16x256xf32, #tpu.memory_space<vmem>>, vector<16xf32>,
        %parallel_loop3A_144 = arith.addf %parallel_loop3A_137, %parallel_loop3A_143 : vector<16xf32>
        %parallel_loop3A_145 = arith.constant 16 : i32
        %parallel_loop3A_146 = arith.muli %parallel_loop3A_110, %parallel_loop3A_145 : i32
        %parallel_loop3A_147 = arith.constant 5 : i32
        %parallel_loop3A_148 = arith.index_cast %parallel_loop3A_147 : i32 to index
        %parallel_loop3A_149 = arith.index_cast %parallel_loop3A_146 : i32 to index
        %parallel_loop3A_150 = tpu.vector_load %arg10[%parallel_loop3A_148, %parallel_loop3A_149] {strides = array<i32>} : memref<16x256xf32, #tpu.memory_space<vmem>>, vector<16xf32>,
        %parallel_loop3A_151 = arith.addf %parallel_loop3A_144, %parallel_loop3A_150 : vector<16xf32>
        %parallel_loop3A_152 = arith.constant 16 : i32
        %parallel_loop3A_153 = arith.muli %parallel_loop3A_110, %parallel_loop3A_152 : i32
        %parallel_loop3A_154 = arith.constant 6 : i32
        %parallel_loop3A_155 = arith.index_cast %parallel_loop3A_154 : i32 to index
        %parallel_loop3A_156 = arith.index_cast %parallel_loop3A_153 : i32 to index
        %parallel_loop3A_157 = tpu.vector_load %arg10[%parallel_loop3A_155, %parallel_loop3A_156] {strides = array<i32>} : memref<16x256xf32, #tpu.memory_space<vmem>>, vector<16xf32>,
        %parallel_loop3A_158 = arith.addf %parallel_loop3A_151, %parallel_loop3A_157 : vector<16xf32>
        %parallel_loop3A_159 = arith.constant 16 : i32
        %parallel_loop3A_160 = arith.muli %parallel_loop3A_110, %parallel_loop3A_159 : i32
        %parallel_loop3A_161 = arith.constant 7 : i32
        %parallel_loop3A_162 = arith.index_cast %parallel_loop3A_161 : i32 to index
        %parallel_loop3A_163 = arith.index_cast %parallel_loop3A_160 : i32 to index
        %parallel_loop3A_164 = tpu.vector_load %arg10[%parallel_loop3A_162, %parallel_loop3A_163] {strides = array<i32>} : memref<16x256xf32, #tpu.memory_space<vmem>>, vector<16xf32>,
        %parallel_loop3A_165 = arith.addf %parallel_loop3A_158, %parallel_loop3A_164 : vector<16xf32>
        %parallel_loop3A_166 = arith.constant 16 : i32
        %parallel_loop3A_167 = arith.muli %parallel_loop3A_110, %parallel_loop3A_166 : i32
        %parallel_loop3A_168 = arith.constant 8 : i32
        %parallel_loop3A_169 = arith.index_cast %parallel_loop3A_168 : i32 to index
        %parallel_loop3A_170 = arith.index_cast %parallel_loop3A_167 : i32 to index
        %parallel_loop3A_171 = tpu.vector_load %arg10[%parallel_loop3A_169, %parallel_loop3A_170] {strides = array<i32>} : memref<16x256xf32, #tpu.memory_space<vmem>>, vector<16xf32>,
        %parallel_loop3A_172 = arith.addf %parallel_loop3A_165, %parallel_loop3A_171 : vector<16xf32>
        %parallel_loop3A_173 = arith.constant 16 : i32
        %parallel_loop3A_174 = arith.muli %parallel_loop3A_110, %parallel_loop3A_173 : i32
        %parallel_loop3A_175 = arith.constant 9 : i32
        %parallel_loop3A_176 = arith.index_cast %parallel_loop3A_175 : i32 to index
        %parallel_loop3A_177 = arith.index_cast %parallel_loop3A_174 : i32 to index
        %parallel_loop3A_178 = tpu.vector_load %arg10[%parallel_loop3A_176, %parallel_loop3A_177] {strides = array<i32>} : memref<16x256xf32, #tpu.memory_space<vmem>>, vector<16xf32>,
        %parallel_loop3A_179 = arith.addf %parallel_loop3A_172, %parallel_loop3A_178 : vector<16xf32>
        %parallel_loop3A_180 = arith.constant 16 : i32
        %parallel_loop3A_181 = arith.muli %parallel_loop3A_110, %parallel_loop3A_180 : i32
        %parallel_loop3A_182 = arith.constant 10 : i32
        %parallel_loop3A_183 = arith.index_cast %parallel_loop3A_182 : i32 to index
        %parallel_loop3A_184 = arith.index_cast %parallel_loop3A_181 : i32 to index
        %parallel_loop3A_185 = tpu.vector_load %arg10[%parallel_loop3A_183, %parallel_loop3A_184] {strides = array<i32>} : memref<16x256xf32, #tpu.memory_space<vmem>>, vector<16xf32>,
        %parallel_loop3A_186 = arith.addf %parallel_loop3A_179, %parallel_loop3A_185 : vector<16xf32>
        %parallel_loop3A_187 = arith.constant 16 : i32
        %parallel_loop3A_188 = arith.muli %parallel_loop3A_110, %parallel_loop3A_187 : i32
        %parallel_loop3A_189 = arith.constant 11 : i32
        %parallel_loop3A_190 = arith.index_cast %parallel_loop3A_189 : i32 to index
        %parallel_loop3A_191 = arith.index_cast %parallel_loop3A_188 : i32 to index
        %parallel_loop3A_192 = tpu.vector_load %arg10[%parallel_loop3A_190, %parallel_loop3A_191] {strides = array<i32>} : memref<16x256xf32, #tpu.memory_space<vmem>>, vector<16xf32>,
        %parallel_loop3A_193 = arith.addf %parallel_loop3A_186, %parallel_loop3A_192 : vector<16xf32>
        %parallel_loop3A_194 = arith.constant 16 : i32
        %parallel_loop3A_195 = arith.muli %parallel_loop3A_110, %parallel_loop3A_194 : i32
        %parallel_loop3A_196 = arith.constant 12 : i32
        %parallel_loop3A_197 = arith.index_cast %parallel_loop3A_196 : i32 to index
        %parallel_loop3A_198 = arith.index_cast %parallel_loop3A_195 : i32 to index
        %parallel_loop3A_199 = tpu.vector_load %arg10[%parallel_loop3A_197, %parallel_loop3A_198] {strides = array<i32>} : memref<16x256xf32, #tpu.memory_space<vmem>>, vector<16xf32>,
        %parallel_loop3A_200 = arith.addf %parallel_loop3A_193, %parallel_loop3A_199 : vector<16xf32>
        %parallel_loop3A_201 = arith.constant 16 : i32
        %parallel_loop3A_202 = arith.muli %parallel_loop3A_110, %parallel_loop3A_201 : i32
        %parallel_loop3A_203 = arith.constant 13 : i32
        %parallel_loop3A_204 = arith.index_cast %parallel_loop3A_203 : i32 to index
        %parallel_loop3A_205 = arith.index_cast %parallel_loop3A_202 : i32 to index
        %parallel_loop3A_206 = tpu.vector_load %arg10[%parallel_loop3A_204, %parallel_loop3A_205] {strides = array<i32>} : memref<16x256xf32, #tpu.memory_space<vmem>>, vector<16xf32>,
        %parallel_loop3A_207 = arith.addf %parallel_loop3A_200, %parallel_loop3A_206 : vector<16xf32>
        %parallel_loop3A_208 = arith.constant 16 : i32
        %parallel_loop3A_209 = arith.muli %parallel_loop3A_110, %parallel_loop3A_208 : i32
        %parallel_loop3A_210 = arith.constant 14 : i32
        %parallel_loop3A_211 = arith.index_cast %parallel_loop3A_210 : i32 to index
        %parallel_loop3A_212 = arith.index_cast %parallel_loop3A_209 : i32 to index
        %parallel_loop3A_213 = tpu.vector_load %arg10[%parallel_loop3A_211, %parallel_loop3A_212] {strides = array<i32>} : memref<16x256xf32, #tpu.memory_space<vmem>>, vector<16xf32>,
        %parallel_loop3A_214 = arith.addf %parallel_loop3A_207, %parallel_loop3A_213 : vector<16xf32>
        %parallel_loop3A_215 = arith.constant 16 : i32
        %parallel_loop3A_216 = arith.muli %parallel_loop3A_110, %parallel_loop3A_215 : i32
        %parallel_loop3A_217 = arith.constant 15 : i32
        %parallel_loop3A_218 = arith.index_cast %parallel_loop3A_217 : i32 to index
        %parallel_loop3A_219 = arith.index_cast %parallel_loop3A_216 : i32 to index
        %parallel_loop3A_220 = tpu.vector_load %arg10[%parallel_loop3A_218, %parallel_loop3A_219] {strides = array<i32>} : memref<16x256xf32, #tpu.memory_space<vmem>>, vector<16xf32>,
        %parallel_loop3A_221 = arith.addf %parallel_loop3A_214, %parallel_loop3A_220 : vector<16xf32>
        %parallel_loop3A_222 = arith.constant 16 : i32
        %parallel_loop3A_223 = arith.muli %parallel_loop3A_110, %parallel_loop3A_222 : i32
        %parallel_loop3A_224 = arith.index_cast %parallel_loop3A_223 : i32 to index
        %parallel_loop3A_225 = tpu.vector_load %arg11[%parallel_loop3A_224] {strides = array<i32>} : memref<256xf32, #tpu.memory_space<vmem>>, vector<16xf32>,
        tpu.vector_store %arg11[%parallel_loop3A_224], %parallel_loop3A_221 {strides = array<i32>} : memref<256xf32, #tpu.memory_space<vmem>>, vector<16xf32>,
      } {sc.loop_unroll_factor = 1 : i64, sc.parallel_access}
      %mul3A_62 = arith.constant 256 : i32
      %mul3A_63 = arith.muli %arg1, %mul3A_62 : i32
      "tpu.region"() ({
        %run_scoped3A_110 = tpu.sem_alloc : memref<!tpu.dma_semaphore, #tpu.memory_space<semaphore_mem>>
        %dma_start3A_111 = tpu.memref_slice %arg5[%arg0, %add3A_28, %mul3A_63] : memref<2x20x4096xf32, #tpu.memory_space<hbm>> -> memref<1x1x256xf32, #tpu.memory_space<hbm>>
        %dma_start3A_112 = tpu.memref_squeeze %dma_start3A_111 : memref<1x1x256xf32, #tpu.memory_space<hbm>> -> memref<256xf32, #tpu.memory_space<hbm>>
        %dma_start3A_113 = tpu.memref_slice %arg5[%arg0, %add3A_28, %mul3A_63] : memref<2x20x4096xf32, #tpu.memory_space<hbm>> -> memref<1x1x256xf32, #tpu.memory_space<hbm>>
        %dma_start3A_114 = tpu.memref_squeeze %dma_start3A_113 : memref<1x1x256xf32, #tpu.memory_space<hbm>> -> memref<256xf32, #tpu.memory_space<hbm>>
        tpu.enqueue_dma source(%arg11 : memref<256xf32, #tpu.memory_space<vmem>>) target(%dma_start3A_114 : memref<256xf32, #tpu.memory_space<hbm>>) target_semaphore(%run_scoped3A_110 : memref<!tpu.dma_semaphore, #tpu.memory_space<semaphore_mem>>)
        %dma_wait3A_115 = tpu.memref_slice %arg5[%arg0, %add3A_28, %mul3A_63] : memref<2x20x4096xf32, #tpu.memory_space<hbm>> -> memref<1x1x256xf32, #tpu.memory_space<hbm>>
        %dma_wait3A_116 = tpu.memref_squeeze %dma_wait3A_115 : memref<1x1x256xf32, #tpu.memory_space<hbm>> -> memref<256xf32, #tpu.memory_space<hbm>>
        %dma_wait3A_117 = tpu.memref_slice %arg5[%arg0, %add3A_28, %mul3A_63] : memref<2x20x4096xf32, #tpu.memory_space<hbm>> -> memref<1x1x256xf32, #tpu.memory_space<hbm>>
        %dma_wait3A_118 = tpu.memref_squeeze %dma_wait3A_117 : memref<1x1x256xf32, #tpu.memory_space<hbm>> -> memref<256xf32, #tpu.memory_space<hbm>>
        tpu.wait_dma2 semaphore(%run_scoped3A_110 : memref<!tpu.dma_semaphore, #tpu.memory_space<semaphore_mem>>) src(%arg11 : memref<256xf32, #tpu.memory_space<vmem>>) dst(%dma_wait3A_118 : memref<256xf32, #tpu.memory_space<hbm>>)
        tpu.yield
      }) : () -> ()
      %mul3A_64 = arith.constant 2 : i32
      %mul3A_65 = arith.muli %scan3A_24, %mul3A_64 : i32
      %add3A_66 = arith.constant 1 : i32
      %add3A_67 = arith.addi %mul3A_65, %add3A_66 : i32
      %add3A_68 = arith.constant 1 : i32
      %add3A_69 = arith.addi %add3A_67, %add3A_68 : i32
      %lt3A_70 = arith.constant 20 : i32
      %lt3A_71 = arith.cmpi slt, %add3A_69, %lt3A_70 : i32
      %convert_element_type3A_72 = arith.extui %lt3A_71 : i1 to i32
      %cond3A_73 = arith.constant 0 : i32
      %cond3A_74 = arith.cmpi ne, %convert_element_type3A_72, %cond3A_73 : i32
      scf.if %cond3A_74 {
        %add3A_110 = arith.constant 1 : i32
        %add3A_111 = arith.addi %add3A_67, %add3A_110 : i32
        %mul3A_112 = arith.constant 81920 : i32
        %mul3A_113 = arith.muli %arg0, %mul3A_112 : i32
        %mul3A_114 = arith.constant 4096 : i32
        %mul3A_115 = arith.muli %add3A_111, %mul3A_114 : i32
        %add3A_116 = arith.addi %mul3A_113, %mul3A_115 : i32
        %dma_start3A_117 = arith.constant 0 : i32
        %dma_start3A_118 = arith.constant 0 : i32
        %dma_start3A_119 = tpu.memref_slice %arg7[%dma_start3A_117, %dma_start3A_118] : memref<2x4096xi32, #tpu.memory_space<vmem>> -> memref<1x4096xi32, #tpu.memory_space<vmem>>
        %dma_start3A_120 = tpu.memref_squeeze %dma_start3A_119 : memref<1x4096xi32, #tpu.memory_space<vmem>> -> memref<4096xi32, #tpu.memory_space<vmem>>
        %dma_start3A_121 = tpu.memref_slice %arg3[%add3A_116] : memref<163840xi32, #tpu.memory_space<hbm>> -> memref<4096xi32, #tpu.memory_space<hbm>>
        %dma_start3A_122 = arith.constant 0 : i32
        %dma_start3A_123 = tpu.memref_slice %arg7[%dma_start3A_117, %dma_start3A_122] : memref<2x4096xi32, #tpu.memory_space<vmem>> -> memref<1x4096xi32, #tpu.memory_space<vmem>>
        %dma_start3A_124 = tpu.memref_squeeze %dma_start3A_123 : memref<1x4096xi32, #tpu.memory_space<vmem>> -> memref<4096xi32, #tpu.memory_space<vmem>>
        %dma_start3A_125 = tpu.memref_slice %arg3[%add3A_116] : memref<163840xi32, #tpu.memory_space<hbm>> -> memref<4096xi32, #tpu.memory_space<hbm>>
        tpu.enqueue_dma source(%dma_start3A_125 : memref<4096xi32, #tpu.memory_space<hbm>>) target(%dma_start3A_124 : memref<4096xi32, #tpu.memory_space<vmem>>) target_semaphore(%arg13 : memref<!tpu.dma_semaphore, #tpu.memory_space<semaphore_mem>>)
        %dma_start3A_126 = arith.constant 0 : i32
        %dma_start3A_127 = arith.constant 0 : i32
        %dma_start3A_128 = tpu.memref_slice %arg8[%dma_start3A_126, %dma_start3A_127] : memref<2x4096xi32, #tpu.memory_space<vmem>> -> memref<1x4096xi32, #tpu.memory_space<vmem>>
        %dma_start3A_129 = tpu.memref_squeeze %dma_start3A_128 : memref<1x4096xi32, #tpu.memory_space<vmem>> -> memref<4096xi32, #tpu.memory_space<vmem>>
        %dma_start3A_130 = tpu.memref_slice %arg4[%add3A_116] : memref<163840xi32, #tpu.memory_space<hbm>> -> memref<4096xi32, #tpu.memory_space<hbm>>
        %dma_start3A_131 = arith.constant 0 : i32
        %dma_start3A_132 = tpu.memref_slice %arg8[%dma_start3A_126, %dma_start3A_131] : memref<2x4096xi32, #tpu.memory_space<vmem>> -> memref<1x4096xi32, #tpu.memory_space<vmem>>
        %dma_start3A_133 = tpu.memref_squeeze %dma_start3A_132 : memref<1x4096xi32, #tpu.memory_space<vmem>> -> memref<4096xi32, #tpu.memory_space<vmem>>
        %dma_start3A_134 = tpu.memref_slice %arg4[%add3A_116] : memref<163840xi32, #tpu.memory_space<hbm>> -> memref<4096xi32, #tpu.memory_space<hbm>>
        tpu.enqueue_dma source(%dma_start3A_134 : memref<4096xi32, #tpu.memory_space<hbm>>) target(%dma_start3A_133 : memref<4096xi32, #tpu.memory_space<vmem>>) target_semaphore(%arg13 : memref<!tpu.dma_semaphore, #tpu.memory_space<semaphore_mem>>)
      } else {
      }
      %dma_wait3A_75 = arith.constant 1 : i32
      %dma_wait3A_76 = arith.constant 0 : i32
      %dma_wait3A_77 = tpu.memref_slice %arg7[%dma_wait3A_75, %dma_wait3A_76] : memref<2x4096xi32, #tpu.memory_space<vmem>> -> memref<1x4096xi32, #tpu.memory_space<vmem>>
      %dma_wait3A_78 = tpu.memref_squeeze %dma_wait3A_77 : memref<1x4096xi32, #tpu.memory_space<vmem>> -> memref<4096xi32, #tpu.memory_space<vmem>>
      %dma_wait3A_79 = arith.constant 0 : i32
      %dma_wait3A_80 = tpu.memref_slice %arg3[%dma_wait3A_79] : memref<163840xi32, #tpu.memory_space<hbm>> -> memref<4096xi32, #tpu.memory_space<hbm>>
      %dma_wait3A_81 = arith.constant 0 : i32
      %dma_wait3A_82 = tpu.memref_slice %arg7[%dma_wait3A_75, %dma_wait3A_81] : memref<2x4096xi32, #tpu.memory_space<vmem>> -> memref<1x4096xi32, #tpu.memory_space<vmem>>
      %dma_wait3A_83 = tpu.memref_squeeze %dma_wait3A_82 : memref<1x4096xi32, #tpu.memory_space<vmem>> -> memref<4096xi32, #tpu.memory_space<vmem>>
      %dma_wait3A_84 = arith.constant 0 : i32
      %dma_wait3A_85 = tpu.memref_slice %arg3[%dma_wait3A_84] : memref<163840xi32, #tpu.memory_space<hbm>> -> memref<4096xi32, #tpu.memory_space<hbm>>
      tpu.wait_dma2 semaphore(%arg14 : memref<!tpu.dma_semaphore, #tpu.memory_space<semaphore_mem>>) src(%dma_wait3A_85 : memref<4096xi32, #tpu.memory_space<hbm>>) dst(%dma_wait3A_83 : memref<4096xi32, #tpu.memory_space<vmem>>)
      %dma_wait3A_86 = arith.constant 1 : i32
      %dma_wait3A_87 = arith.constant 0 : i32
      %dma_wait3A_88 = tpu.memref_slice %arg8[%dma_wait3A_86, %dma_wait3A_87] : memref<2x4096xi32, #tpu.memory_space<vmem>> -> memref<1x4096xi32, #tpu.memory_space<vmem>>
      %dma_wait3A_89 = tpu.memref_squeeze %dma_wait3A_88 : memref<1x4096xi32, #tpu.memory_space<vmem>> -> memref<4096xi32, #tpu.memory_space<vmem>>
      %dma_wait3A_90 = arith.constant 0 : i32
      %dma_wait3A_91 = tpu.memref_slice %arg4[%dma_wait3A_90] : memref<163840xi32, #tpu.memory_space<hbm>> -> memref<4096xi32, #tpu.memory_space<hbm>>
      %dma_wait3A_92 = arith.constant 0 : i32
      %dma_wait3A_93 = tpu.memref_slice %arg8[%dma_wait3A_86, %dma_wait3A_92] : memref<2x4096xi32, #tpu.memory_space<vmem>> -> memref<1x4096xi32, #tpu.memory_space<vmem>>
      %dma_wait3A_94 = tpu.memref_squeeze %dma_wait3A_93 : memref<1x4096xi32, #tpu.memory_space<vmem>> -> memref<4096xi32, #tpu.memory_space<vmem>>
      %dma_wait3A_95 = arith.constant 0 : i32
      %dma_wait3A_96 = tpu.memref_slice %arg4[%dma_wait3A_95] : memref<163840xi32, #tpu.memory_space<hbm>> -> memref<4096xi32, #tpu.memory_space<hbm>>
      tpu.wait_dma2 semaphore(%arg14 : memref<!tpu.dma_semaphore, #tpu.memory_space<semaphore_mem>>) src(%dma_wait3A_96 : memref<4096xi32, #tpu.memory_space<hbm>>) dst(%dma_wait3A_94 : memref<4096xi32, #tpu.memory_space<vmem>>)
      %parallel_loop3A_97 = arith.constant 0 : i32
      %parallel_loop3A_98 = arith.constant 256 : i32
      %parallel_loop3A_99 = arith.constant 1 : i32
      scf.for %parallel_loop3A_110 = %parallel_loop3A_97 to %parallel_loop3A_98 step %parallel_loop3A_99  : i32 {
        %parallel_loop3A_111 = arith.constant 16 : i32
        %parallel_loop3A_112 = arith.muli %parallel_loop3A_110, %parallel_loop3A_111 : i32
        %parallel_loop3A_113 = arith.constant 1 : i32
        %parallel_loop3A_114 = arith.index_cast %parallel_loop3A_113 : i32 to index
        %parallel_loop3A_115 = arith.index_cast %parallel_loop3A_112 : i32 to index
        %parallel_loop3A_116 = tpu.vector_load %arg7[%parallel_loop3A_114, %parallel_loop3A_115] {strides = array<i32>} : memref<2x4096xi32, #tpu.memory_space<vmem>>, vector<16xi32>,
        %parallel_loop3A_117 = arith.constant 16 : i32
        %parallel_loop3A_118 = arith.muli %parallel_loop3A_110, %parallel_loop3A_117 : i32
        %parallel_loop3A_119 = arith.constant 1 : i32
        %parallel_loop3A_120 = arith.index_cast %parallel_loop3A_119 : i32 to index
        %parallel_loop3A_121 = arith.index_cast %parallel_loop3A_118 : i32 to index
        %parallel_loop3A_122 = tpu.vector_load %arg8[%parallel_loop3A_120, %parallel_loop3A_121] {strides = array<i32>} : memref<2x4096xi32, #tpu.memory_space<vmem>>, vector<16xi32>,
        %parallel_loop3A_123 = arith.constant 0.000000e+00 : f32
        %parallel_loop3A_124 = vector.broadcast %parallel_loop3A_123 : f32 to vector<16xf32>
        %parallel_loop3A_125 = arith.constant 0.000000e+00 : f32
        %parallel_loop3A_126 = vector.broadcast %parallel_loop3A_125 : f32 to vector<16xf32>
        %parallel_loop3A_127 = arith.constant 0 : i32
        %parallel_loop3A_128 = vector.broadcast %parallel_loop3A_127 : i32 to vector<16xi32>
        %parallel_loop3A_129 = tpu.vector_load_idx %arg6[%parallel_loop3A_128, %parallel_loop3A_116] : memref<8x10000xi32, #tpu.memory_space<vmem>>[vector<16xi32>, vector<16xi32>], vector<16xi32>,
        %parallel_loop3A_130 = tpu.vector_load_idx %arg6[%parallel_loop3A_128, %parallel_loop3A_122] : memref<8x10000xi32, #tpu.memory_space<vmem>>[vector<16xi32>, vector<16xi32>], vector<16xi32>,
        %parallel_loop3A_131 = vector.bitcast %parallel_loop3A_129 : vector<16xi32> to vector<32xbf16>
        %parallel_loop3A_132 = vector.bitcast %parallel_loop3A_130 : vector<16xi32> to vector<32xbf16>
        %parallel_loop3A_133 = arith.mulf %parallel_loop3A_131, %parallel_loop3A_132 : vector<32xbf16>
        %parallel_loop3A_134 = tpu.unpack_subelements %parallel_loop3A_133, 0 {pack_format = #tpu.pack_format<interleaved>} : vector<32xbf16> -> vector<16xf32>
        %parallel_loop3A_135 = tpu.unpack_subelements %parallel_loop3A_133, 1 {pack_format = #tpu.pack_format<interleaved>} : vector<32xbf16> -> vector<16xf32>
        %parallel_loop3A_136 = arith.addf %parallel_loop3A_124, %parallel_loop3A_134 : vector<16xf32>
        %parallel_loop3A_137 = arith.addf %parallel_loop3A_126, %parallel_loop3A_135 : vector<16xf32>
        %parallel_loop3A_138 = arith.constant 1 : i32
        %parallel_loop3A_139 = vector.broadcast %parallel_loop3A_138 : i32 to vector<16xi32>
        %parallel_loop3A_140 = tpu.vector_load_idx %arg6[%parallel_loop3A_139, %parallel_loop3A_116] : memref<8x10000xi32, #tpu.memory_space<vmem>>[vector<16xi32>, vector<16xi32>], vector<16xi32>,
        %parallel_loop3A_141 = tpu.vector_load_idx %arg6[%parallel_loop3A_139, %parallel_loop3A_122] : memref<8x10000xi32, #tpu.memory_space<vmem>>[vector<16xi32>, vector<16xi32>], vector<16xi32>,
        %parallel_loop3A_142 = vector.bitcast %parallel_loop3A_140 : vector<16xi32> to vector<32xbf16>
        %parallel_loop3A_143 = vector.bitcast %parallel_loop3A_141 : vector<16xi32> to vector<32xbf16>
        %parallel_loop3A_144 = arith.mulf %parallel_loop3A_142, %parallel_loop3A_143 : vector<32xbf16>
        %parallel_loop3A_145 = tpu.unpack_subelements %parallel_loop3A_144, 0 {pack_format = #tpu.pack_format<interleaved>} : vector<32xbf16> -> vector<16xf32>
        %parallel_loop3A_146 = tpu.unpack_subelements %parallel_loop3A_144, 1 {pack_format = #tpu.pack_format<interleaved>} : vector<32xbf16> -> vector<16xf32>
        %parallel_loop3A_147 = arith.addf %parallel_loop3A_136, %parallel_loop3A_145 : vector<16xf32>
        %parallel_loop3A_148 = arith.addf %parallel_loop3A_137, %parallel_loop3A_146 : vector<16xf32>
        %parallel_loop3A_149 = arith.constant 2 : i32
        %parallel_loop3A_150 = vector.broadcast %parallel_loop3A_149 : i32 to vector<16xi32>
        %parallel_loop3A_151 = tpu.vector_load_idx %arg6[%parallel_loop3A_150, %parallel_loop3A_116] : memref<8x10000xi32, #tpu.memory_space<vmem>>[vector<16xi32>, vector<16xi32>], vector<16xi32>,
        %parallel_loop3A_152 = tpu.vector_load_idx %arg6[%parallel_loop3A_150, %parallel_loop3A_122] : memref<8x10000xi32, #tpu.memory_space<vmem>>[vector<16xi32>, vector<16xi32>], vector<16xi32>,
        %parallel_loop3A_153 = vector.bitcast %parallel_loop3A_151 : vector<16xi32> to vector<32xbf16>
        %parallel_loop3A_154 = vector.bitcast %parallel_loop3A_152 : vector<16xi32> to vector<32xbf16>
        %parallel_loop3A_155 = arith.mulf %parallel_loop3A_153, %parallel_loop3A_154 : vector<32xbf16>
        %parallel_loop3A_156 = tpu.unpack_subelements %parallel_loop3A_155, 0 {pack_format = #tpu.pack_format<interleaved>} : vector<32xbf16> -> vector<16xf32>
        %parallel_loop3A_157 = tpu.unpack_subelements %parallel_loop3A_155, 1 {pack_format = #tpu.pack_format<interleaved>} : vector<32xbf16> -> vector<16xf32>
        %parallel_loop3A_158 = arith.addf %parallel_loop3A_147, %parallel_loop3A_156 : vector<16xf32>
        %parallel_loop3A_159 = arith.addf %parallel_loop3A_148, %parallel_loop3A_157 : vector<16xf32>
        %parallel_loop3A_160 = arith.constant 3 : i32
        %parallel_loop3A_161 = vector.broadcast %parallel_loop3A_160 : i32 to vector<16xi32>
        %parallel_loop3A_162 = tpu.vector_load_idx %arg6[%parallel_loop3A_161, %parallel_loop3A_116] : memref<8x10000xi32, #tpu.memory_space<vmem>>[vector<16xi32>, vector<16xi32>], vector<16xi32>,
        %parallel_loop3A_163 = tpu.vector_load_idx %arg6[%parallel_loop3A_161, %parallel_loop3A_122] : memref<8x10000xi32, #tpu.memory_space<vmem>>[vector<16xi32>, vector<16xi32>], vector<16xi32>,
        %parallel_loop3A_164 = vector.bitcast %parallel_loop3A_162 : vector<16xi32> to vector<32xbf16>
        %parallel_loop3A_165 = vector.bitcast %parallel_loop3A_163 : vector<16xi32> to vector<32xbf16>
        %parallel_loop3A_166 = arith.mulf %parallel_loop3A_164, %parallel_loop3A_165 : vector<32xbf16>
        %parallel_loop3A_167 = tpu.unpack_subelements %parallel_loop3A_166, 0 {pack_format = #tpu.pack_format<interleaved>} : vector<32xbf16> -> vector<16xf32>
        %parallel_loop3A_168 = tpu.unpack_subelements %parallel_loop3A_166, 1 {pack_format = #tpu.pack_format<interleaved>} : vector<32xbf16> -> vector<16xf32>
        %parallel_loop3A_169 = arith.addf %parallel_loop3A_158, %parallel_loop3A_167 : vector<16xf32>
        %parallel_loop3A_170 = arith.addf %parallel_loop3A_159, %parallel_loop3A_168 : vector<16xf32>
        %parallel_loop3A_171 = arith.constant 4 : i32
        %parallel_loop3A_172 = vector.broadcast %parallel_loop3A_171 : i32 to vector<16xi32>
        %parallel_loop3A_173 = tpu.vector_load_idx %arg6[%parallel_loop3A_172, %parallel_loop3A_116] : memref<8x10000xi32, #tpu.memory_space<vmem>>[vector<16xi32>, vector<16xi32>], vector<16xi32>,
        %parallel_loop3A_174 = tpu.vector_load_idx %arg6[%parallel_loop3A_172, %parallel_loop3A_122] : memref<8x10000xi32, #tpu.memory_space<vmem>>[vector<16xi32>, vector<16xi32>], vector<16xi32>,
        %parallel_loop3A_175 = vector.bitcast %parallel_loop3A_173 : vector<16xi32> to vector<32xbf16>
        %parallel_loop3A_176 = vector.bitcast %parallel_loop3A_174 : vector<16xi32> to vector<32xbf16>
        %parallel_loop3A_177 = arith.mulf %parallel_loop3A_175, %parallel_loop3A_176 : vector<32xbf16>
        %parallel_loop3A_178 = tpu.unpack_subelements %parallel_loop3A_177, 0 {pack_format = #tpu.pack_format<interleaved>} : vector<32xbf16> -> vector<16xf32>
        %parallel_loop3A_179 = tpu.unpack_subelements %parallel_loop3A_177, 1 {pack_format = #tpu.pack_format<interleaved>} : vector<32xbf16> -> vector<16xf32>
        %parallel_loop3A_180 = arith.addf %parallel_loop3A_169, %parallel_loop3A_178 : vector<16xf32>
        %parallel_loop3A_181 = arith.addf %parallel_loop3A_170, %parallel_loop3A_179 : vector<16xf32>
        %parallel_loop3A_182 = arith.constant 5 : i32
        %parallel_loop3A_183 = vector.broadcast %parallel_loop3A_182 : i32 to vector<16xi32>
        %parallel_loop3A_184 = tpu.vector_load_idx %arg6[%parallel_loop3A_183, %parallel_loop3A_116] : memref<8x10000xi32, #tpu.memory_space<vmem>>[vector<16xi32>, vector<16xi32>], vector<16xi32>,
        %parallel_loop3A_185 = tpu.vector_load_idx %arg6[%parallel_loop3A_183, %parallel_loop3A_122] : memref<8x10000xi32, #tpu.memory_space<vmem>>[vector<16xi32>, vector<16xi32>], vector<16xi32>,
        %parallel_loop3A_186 = vector.bitcast %parallel_loop3A_184 : vector<16xi32> to vector<32xbf16>
        %parallel_loop3A_187 = vector.bitcast %parallel_loop3A_185 : vector<16xi32> to vector<32xbf16>
        %parallel_loop3A_188 = arith.mulf %parallel_loop3A_186, %parallel_loop3A_187 : vector<32xbf16>
        %parallel_loop3A_189 = tpu.unpack_subelements %parallel_loop3A_188, 0 {pack_format = #tpu.pack_format<interleaved>} : vector<32xbf16> -> vector<16xf32>
        %parallel_loop3A_190 = tpu.unpack_subelements %parallel_loop3A_188, 1 {pack_format = #tpu.pack_format<interleaved>} : vector<32xbf16> -> vector<16xf32>
        %parallel_loop3A_191 = arith.addf %parallel_loop3A_180, %parallel_loop3A_189 : vector<16xf32>
        %parallel_loop3A_192 = arith.addf %parallel_loop3A_181, %parallel_loop3A_190 : vector<16xf32>
        %parallel_loop3A_193 = arith.constant 6 : i32
        %parallel_loop3A_194 = vector.broadcast %parallel_loop3A_193 : i32 to vector<16xi32>
        %parallel_loop3A_195 = tpu.vector_load_idx %arg6[%parallel_loop3A_194, %parallel_loop3A_116] : memref<8x10000xi32, #tpu.memory_space<vmem>>[vector<16xi32>, vector<16xi32>], vector<16xi32>,
        %parallel_loop3A_196 = tpu.vector_load_idx %arg6[%parallel_loop3A_194, %parallel_loop3A_122] : memref<8x10000xi32, #tpu.memory_space<vmem>>[vector<16xi32>, vector<16xi32>], vector<16xi32>,
        %parallel_loop3A_197 = vector.bitcast %parallel_loop3A_195 : vector<16xi32> to vector<32xbf16>
        %parallel_loop3A_198 = vector.bitcast %parallel_loop3A_196 : vector<16xi32> to vector<32xbf16>
        %parallel_loop3A_199 = arith.mulf %parallel_loop3A_197, %parallel_loop3A_198 : vector<32xbf16>
        %parallel_loop3A_200 = tpu.unpack_subelements %parallel_loop3A_199, 0 {pack_format = #tpu.pack_format<interleaved>} : vector<32xbf16> -> vector<16xf32>
        %parallel_loop3A_201 = tpu.unpack_subelements %parallel_loop3A_199, 1 {pack_format = #tpu.pack_format<interleaved>} : vector<32xbf16> -> vector<16xf32>
        %parallel_loop3A_202 = arith.addf %parallel_loop3A_191, %parallel_loop3A_200 : vector<16xf32>
        %parallel_loop3A_203 = arith.addf %parallel_loop3A_192, %parallel_loop3A_201 : vector<16xf32>
        %parallel_loop3A_204 = arith.constant 7 : i32
        %parallel_loop3A_205 = vector.broadcast %parallel_loop3A_204 : i32 to vector<16xi32>
        %parallel_loop3A_206 = tpu.vector_load_idx %arg6[%parallel_loop3A_205, %parallel_loop3A_116] : memref<8x10000xi32, #tpu.memory_space<vmem>>[vector<16xi32>, vector<16xi32>], vector<16xi32>,
        %parallel_loop3A_207 = tpu.vector_load_idx %arg6[%parallel_loop3A_205, %parallel_loop3A_122] : memref<8x10000xi32, #tpu.memory_space<vmem>>[vector<16xi32>, vector<16xi32>], vector<16xi32>,
        %parallel_loop3A_208 = vector.bitcast %parallel_loop3A_206 : vector<16xi32> to vector<32xbf16>
        %parallel_loop3A_209 = vector.bitcast %parallel_loop3A_207 : vector<16xi32> to vector<32xbf16>
        %parallel_loop3A_210 = arith.mulf %parallel_loop3A_208, %parallel_loop3A_209 : vector<32xbf16>
        %parallel_loop3A_211 = tpu.unpack_subelements %parallel_loop3A_210, 0 {pack_format = #tpu.pack_format<interleaved>} : vector<32xbf16> -> vector<16xf32>
        %parallel_loop3A_212 = tpu.unpack_subelements %parallel_loop3A_210, 1 {pack_format = #tpu.pack_format<interleaved>} : vector<32xbf16> -> vector<16xf32>
        %parallel_loop3A_213 = arith.addf %parallel_loop3A_202, %parallel_loop3A_211 : vector<16xf32>
        %parallel_loop3A_214 = arith.addf %parallel_loop3A_203, %parallel_loop3A_212 : vector<16xf32>
        %parallel_loop3A_215 = arith.addf %parallel_loop3A_213, %parallel_loop3A_214 : vector<16xf32>
        %parallel_loop3A_216 = arith.constant 16 : i32
        %parallel_loop3A_217 = arith.muli %parallel_loop3A_110, %parallel_loop3A_216 : i32
        %parallel_loop3A_218 = arith.index_cast %parallel_loop3A_217 : i32 to index
        %parallel_loop3A_219 = tpu.vector_load %arg9[%parallel_loop3A_218] {strides = array<i32>} : memref<4096xf32, #tpu.memory_space<vmem>>, vector<16xf32>,
        tpu.vector_store %arg9[%parallel_loop3A_218], %parallel_loop3A_215 {strides = array<i32>} : memref<4096xf32, #tpu.memory_space<vmem>>, vector<16xf32>,
      } {sc.loop_unroll_factor = 2 : i64, sc.parallel_access}
      %run_scoped3A_100 = arith.constant 1 : i32
      "tpu.region"() ({
        %run_scoped3A_110 = tpu.sem_alloc : memref<!tpu.dma_semaphore, #tpu.memory_space<semaphore_mem>>
        %dma_start3A_111 = arith.constant 0 : i32
        %dma_start3A_112 = tpu.memref_slice %arg12[%run_scoped3A_100, %arg1, %dma_start3A_111] : memref<2x16x4096xf32, #tpu.memory_space<vmem_shared>> -> memref<1x1x4096xf32, #tpu.memory_space<vmem_shared>>
        %dma_start3A_113 = tpu.memref_squeeze %dma_start3A_112 : memref<1x1x4096xf32, #tpu.memory_space<vmem_shared>> -> memref<4096xf32, #tpu.memory_space<vmem_shared>>
        %dma_start3A_114 = arith.constant 0 : i32
        %dma_start3A_115 = tpu.memref_slice %arg12[%run_scoped3A_100, %arg1, %dma_start3A_114] : memref<2x16x4096xf32, #tpu.memory_space<vmem_shared>> -> memref<1x1x4096xf32, #tpu.memory_space<vmem_shared>>
        %dma_start3A_116 = tpu.memref_squeeze %dma_start3A_115 : memref<1x1x4096xf32, #tpu.memory_space<vmem_shared>> -> memref<4096xf32, #tpu.memory_space<vmem_shared>>
        tpu.enqueue_dma source(%arg9 : memref<4096xf32, #tpu.memory_space<vmem>>) target(%dma_start3A_116 : memref<4096xf32, #tpu.memory_space<vmem_shared>>) target_semaphore(%run_scoped3A_110 : memref<!tpu.dma_semaphore, #tpu.memory_space<semaphore_mem>>)
        %dma_wait3A_117 = arith.constant 0 : i32
        %dma_wait3A_118 = tpu.memref_slice %arg12[%run_scoped3A_100, %arg1, %dma_wait3A_117] : memref<2x16x4096xf32, #tpu.memory_space<vmem_shared>> -> memref<1x1x4096xf32, #tpu.memory_space<vmem_shared>>
        %dma_wait3A_119 = tpu.memref_squeeze %dma_wait3A_118 : memref<1x1x4096xf32, #tpu.memory_space<vmem_shared>> -> memref<4096xf32, #tpu.memory_space<vmem_shared>>
        %dma_wait3A_120 = arith.constant 0 : i32
        %dma_wait3A_121 = tpu.memref_slice %arg12[%run_scoped3A_100, %arg1, %dma_wait3A_120] : memref<2x16x4096xf32, #tpu.memory_space<vmem_shared>> -> memref<1x1x4096xf32, #tpu.memory_space<vmem_shared>>
        %dma_wait3A_122 = tpu.memref_squeeze %dma_wait3A_121 : memref<1x1x4096xf32, #tpu.memory_space<vmem_shared>> -> memref<4096xf32, #tpu.memory_space<vmem_shared>>
        tpu.wait_dma2 semaphore(%run_scoped3A_110 : memref<!tpu.dma_semaphore, #tpu.memory_space<semaphore_mem>>) src(%arg9 : memref<4096xf32, #tpu.memory_space<vmem>>) dst(%dma_wait3A_122 : memref<4096xf32, #tpu.memory_space<vmem_shared>>)
        tpu.yield
      }) : () -> ()
      %barrier3A_101 = arith.constant 0 : index
      tpu.barrier barrier_id(%barrier3A_101)
      %mul3A_102 = arith.constant 256 : i32
      %mul3A_103 = arith.muli %arg1, %mul3A_102 : i32
      %run_scoped3A_104 = arith.constant 1 : i32
      "tpu.region"() ({
        %run_scoped3A_110 = tpu.sem_alloc : memref<!tpu.dma_semaphore, #tpu.memory_space<semaphore_mem>>
        %dma_start3A_111 = arith.constant 0 : i32
        %dma_start3A_112 = tpu.memref_slice %arg12[%run_scoped3A_104, %dma_start3A_111, %mul3A_103] : memref<2x16x4096xf32, #tpu.memory_space<vmem_shared>> -> memref<1x16x256xf32, #tpu.memory_space<vmem_shared>>
        %dma_start3A_113 = tpu.memref_squeeze %dma_start3A_112 : memref<1x16x256xf32, #tpu.memory_space<vmem_shared>> -> memref<16x256xf32, #tpu.memory_space<vmem_shared>>
        %dma_start3A_114 = arith.constant 0 : i32
        %dma_start3A_115 = tpu.memref_slice %arg12[%run_scoped3A_104, %dma_start3A_114, %mul3A_103] : memref<2x16x4096xf32, #tpu.memory_space<vmem_shared>> -> memref<1x16x256xf32, #tpu.memory_space<vmem_shared>>
        %dma_start3A_116 = tpu.memref_squeeze %dma_start3A_115 : memref<1x16x256xf32, #tpu.memory_space<vmem_shared>> -> memref<16x256xf32, #tpu.memory_space<vmem_shared>>
        tpu.enqueue_dma source(%dma_start3A_116 : memref<16x256xf32, #tpu.memory_space<vmem_shared>>) target(%arg10 : memref<16x256xf32, #tpu.memory_space<vmem>>) target_semaphore(%run_scoped3A_110 : memref<!tpu.dma_semaphore, #tpu.memory_space<semaphore_mem>>)
        %dma_wait3A_117 = arith.constant 0 : i32
        %dma_wait3A_118 = tpu.memref_slice %arg12[%run_scoped3A_104, %dma_wait3A_117, %mul3A_103] : memref<2x16x4096xf32, #tpu.memory_space<vmem_shared>> -> memref<1x16x256xf32, #tpu.memory_space<vmem_shared>>
        %dma_wait3A_119 = tpu.memref_squeeze %dma_wait3A_118 : memref<1x16x256xf32, #tpu.memory_space<vmem_shared>> -> memref<16x256xf32, #tpu.memory_space<vmem_shared>>
        %dma_wait3A_120 = arith.constant 0 : i32
        %dma_wait3A_121 = tpu.memref_slice %arg12[%run_scoped3A_104, %dma_wait3A_120, %mul3A_103] : memref<2x16x4096xf32, #tpu.memory_space<vmem_shared>> -> memref<1x16x256xf32, #tpu.memory_space<vmem_shared>>
        %dma_wait3A_122 = tpu.memref_squeeze %dma_wait3A_121 : memref<1x16x256xf32, #tpu.memory_space<vmem_shared>> -> memref<16x256xf32, #tpu.memory_space<vmem_shared>>
        tpu.wait_dma2 semaphore(%run_scoped3A_110 : memref<!tpu.dma_semaphore, #tpu.memory_space<semaphore_mem>>) src(%dma_wait3A_122 : memref<16x256xf32, #tpu.memory_space<vmem_shared>>) dst(%arg10 : memref<16x256xf32, #tpu.memory_space<vmem>>)
        tpu.yield
      }) : () -> ()
      %parallel_loop3A_105 = arith.constant 0 : i32
      %parallel_loop3A_106 = arith.constant 16 : i32
      %parallel_loop3A_107 = arith.constant 1 : i32
      scf.for %parallel_loop3A_110 = %parallel_loop3A_105 to %parallel_loop3A_106 step %parallel_loop3A_107  : i32 {
        %parallel_loop3A_111 = arith.constant 16 : i32
        %parallel_loop3A_112 = arith.muli %parallel_loop3A_110, %parallel_loop3A_111 : i32
        %parallel_loop3A_113 = arith.constant 0 : i32
        %parallel_loop3A_114 = arith.index_cast %parallel_loop3A_113 : i32 to index
        %parallel_loop3A_115 = arith.index_cast %parallel_loop3A_112 : i32 to index
        %parallel_loop3A_116 = tpu.vector_load %arg10[%parallel_loop3A_114, %parallel_loop3A_115] {strides = array<i32>} : memref<16x256xf32, #tpu.memory_space<vmem>>, vector<16xf32>,
        %parallel_loop3A_117 = arith.constant 16 : i32
        %parallel_loop3A_118 = arith.muli %parallel_loop3A_110, %parallel_loop3A_117 : i32
        %parallel_loop3A_119 = arith.constant 1 : i32
        %parallel_loop3A_120 = arith.index_cast %parallel_loop3A_119 : i32 to index
        %parallel_loop3A_121 = arith.index_cast %parallel_loop3A_118 : i32 to index
        %parallel_loop3A_122 = tpu.vector_load %arg10[%parallel_loop3A_120, %parallel_loop3A_121] {strides = array<i32>} : memref<16x256xf32, #tpu.memory_space<vmem>>, vector<16xf32>,
        %parallel_loop3A_123 = arith.addf %parallel_loop3A_116, %parallel_loop3A_122 : vector<16xf32>
        %parallel_loop3A_124 = arith.constant 16 : i32
        %parallel_loop3A_125 = arith.muli %parallel_loop3A_110, %parallel_loop3A_124 : i32
        %parallel_loop3A_126 = arith.constant 2 : i32
        %parallel_loop3A_127 = arith.index_cast %parallel_loop3A_126 : i32 to index
        %parallel_loop3A_128 = arith.index_cast %parallel_loop3A_125 : i32 to index
        %parallel_loop3A_129 = tpu.vector_load %arg10[%parallel_loop3A_127, %parallel_loop3A_128] {strides = array<i32>} : memref<16x256xf32, #tpu.memory_space<vmem>>, vector<16xf32>,
        %parallel_loop3A_130 = arith.addf %parallel_loop3A_123, %parallel_loop3A_129 : vector<16xf32>
        %parallel_loop3A_131 = arith.constant 16 : i32
        %parallel_loop3A_132 = arith.muli %parallel_loop3A_110, %parallel_loop3A_131 : i32
        %parallel_loop3A_133 = arith.constant 3 : i32
        %parallel_loop3A_134 = arith.index_cast %parallel_loop3A_133 : i32 to index
        %parallel_loop3A_135 = arith.index_cast %parallel_loop3A_132 : i32 to index
        %parallel_loop3A_136 = tpu.vector_load %arg10[%parallel_loop3A_134, %parallel_loop3A_135] {strides = array<i32>} : memref<16x256xf32, #tpu.memory_space<vmem>>, vector<16xf32>,
        %parallel_loop3A_137 = arith.addf %parallel_loop3A_130, %parallel_loop3A_136 : vector<16xf32>
        %parallel_loop3A_138 = arith.constant 16 : i32
        %parallel_loop3A_139 = arith.muli %parallel_loop3A_110, %parallel_loop3A_138 : i32
        %parallel_loop3A_140 = arith.constant 4 : i32
        %parallel_loop3A_141 = arith.index_cast %parallel_loop3A_140 : i32 to index
        %parallel_loop3A_142 = arith.index_cast %parallel_loop3A_139 : i32 to index
        %parallel_loop3A_143 = tpu.vector_load %arg10[%parallel_loop3A_141, %parallel_loop3A_142] {strides = array<i32>} : memref<16x256xf32, #tpu.memory_space<vmem>>, vector<16xf32>,
        %parallel_loop3A_144 = arith.addf %parallel_loop3A_137, %parallel_loop3A_143 : vector<16xf32>
        %parallel_loop3A_145 = arith.constant 16 : i32
        %parallel_loop3A_146 = arith.muli %parallel_loop3A_110, %parallel_loop3A_145 : i32
        %parallel_loop3A_147 = arith.constant 5 : i32
        %parallel_loop3A_148 = arith.index_cast %parallel_loop3A_147 : i32 to index
        %parallel_loop3A_149 = arith.index_cast %parallel_loop3A_146 : i32 to index
        %parallel_loop3A_150 = tpu.vector_load %arg10[%parallel_loop3A_148, %parallel_loop3A_149] {strides = array<i32>} : memref<16x256xf32, #tpu.memory_space<vmem>>, vector<16xf32>,
        %parallel_loop3A_151 = arith.addf %parallel_loop3A_144, %parallel_loop3A_150 : vector<16xf32>
        %parallel_loop3A_152 = arith.constant 16 : i32
        %parallel_loop3A_153 = arith.muli %parallel_loop3A_110, %parallel_loop3A_152 : i32
        %parallel_loop3A_154 = arith.constant 6 : i32
        %parallel_loop3A_155 = arith.index_cast %parallel_loop3A_154 : i32 to index
        %parallel_loop3A_156 = arith.index_cast %parallel_loop3A_153 : i32 to index
        %parallel_loop3A_157 = tpu.vector_load %arg10[%parallel_loop3A_155, %parallel_loop3A_156] {strides = array<i32>} : memref<16x256xf32, #tpu.memory_space<vmem>>, vector<16xf32>,
        %parallel_loop3A_158 = arith.addf %parallel_loop3A_151, %parallel_loop3A_157 : vector<16xf32>
        %parallel_loop3A_159 = arith.constant 16 : i32
        %parallel_loop3A_160 = arith.muli %parallel_loop3A_110, %parallel_loop3A_159 : i32
        %parallel_loop3A_161 = arith.constant 7 : i32
        %parallel_loop3A_162 = arith.index_cast %parallel_loop3A_161 : i32 to index
        %parallel_loop3A_163 = arith.index_cast %parallel_loop3A_160 : i32 to index
        %parallel_loop3A_164 = tpu.vector_load %arg10[%parallel_loop3A_162, %parallel_loop3A_163] {strides = array<i32>} : memref<16x256xf32, #tpu.memory_space<vmem>>, vector<16xf32>,
        %parallel_loop3A_165 = arith.addf %parallel_loop3A_158, %parallel_loop3A_164 : vector<16xf32>
        %parallel_loop3A_166 = arith.constant 16 : i32
        %parallel_loop3A_167 = arith.muli %parallel_loop3A_110, %parallel_loop3A_166 : i32
        %parallel_loop3A_168 = arith.constant 8 : i32
        %parallel_loop3A_169 = arith.index_cast %parallel_loop3A_168 : i32 to index
        %parallel_loop3A_170 = arith.index_cast %parallel_loop3A_167 : i32 to index
        %parallel_loop3A_171 = tpu.vector_load %arg10[%parallel_loop3A_169, %parallel_loop3A_170] {strides = array<i32>} : memref<16x256xf32, #tpu.memory_space<vmem>>, vector<16xf32>,
        %parallel_loop3A_172 = arith.addf %parallel_loop3A_165, %parallel_loop3A_171 : vector<16xf32>
        %parallel_loop3A_173 = arith.constant 16 : i32
        %parallel_loop3A_174 = arith.muli %parallel_loop3A_110, %parallel_loop3A_173 : i32
        %parallel_loop3A_175 = arith.constant 9 : i32
        %parallel_loop3A_176 = arith.index_cast %parallel_loop3A_175 : i32 to index
        %parallel_loop3A_177 = arith.index_cast %parallel_loop3A_174 : i32 to index
        %parallel_loop3A_178 = tpu.vector_load %arg10[%parallel_loop3A_176, %parallel_loop3A_177] {strides = array<i32>} : memref<16x256xf32, #tpu.memory_space<vmem>>, vector<16xf32>,
        %parallel_loop3A_179 = arith.addf %parallel_loop3A_172, %parallel_loop3A_178 : vector<16xf32>
        %parallel_loop3A_180 = arith.constant 16 : i32
        %parallel_loop3A_181 = arith.muli %parallel_loop3A_110, %parallel_loop3A_180 : i32
        %parallel_loop3A_182 = arith.constant 10 : i32
        %parallel_loop3A_183 = arith.index_cast %parallel_loop3A_182 : i32 to index
        %parallel_loop3A_184 = arith.index_cast %parallel_loop3A_181 : i32 to index
        %parallel_loop3A_185 = tpu.vector_load %arg10[%parallel_loop3A_183, %parallel_loop3A_184] {strides = array<i32>} : memref<16x256xf32, #tpu.memory_space<vmem>>, vector<16xf32>,
        %parallel_loop3A_186 = arith.addf %parallel_loop3A_179, %parallel_loop3A_185 : vector<16xf32>
        %parallel_loop3A_187 = arith.constant 16 : i32
        %parallel_loop3A_188 = arith.muli %parallel_loop3A_110, %parallel_loop3A_187 : i32
        %parallel_loop3A_189 = arith.constant 11 : i32
        %parallel_loop3A_190 = arith.index_cast %parallel_loop3A_189 : i32 to index
        %parallel_loop3A_191 = arith.index_cast %parallel_loop3A_188 : i32 to index
        %parallel_loop3A_192 = tpu.vector_load %arg10[%parallel_loop3A_190, %parallel_loop3A_191] {strides = array<i32>} : memref<16x256xf32, #tpu.memory_space<vmem>>, vector<16xf32>,
        %parallel_loop3A_193 = arith.addf %parallel_loop3A_186, %parallel_loop3A_192 : vector<16xf32>
        %parallel_loop3A_194 = arith.constant 16 : i32
        %parallel_loop3A_195 = arith.muli %parallel_loop3A_110, %parallel_loop3A_194 : i32
        %parallel_loop3A_196 = arith.constant 12 : i32
        %parallel_loop3A_197 = arith.index_cast %parallel_loop3A_196 : i32 to index
        %parallel_loop3A_198 = arith.index_cast %parallel_loop3A_195 : i32 to index
        %parallel_loop3A_199 = tpu.vector_load %arg10[%parallel_loop3A_197, %parallel_loop3A_198] {strides = array<i32>} : memref<16x256xf32, #tpu.memory_space<vmem>>, vector<16xf32>,
        %parallel_loop3A_200 = arith.addf %parallel_loop3A_193, %parallel_loop3A_199 : vector<16xf32>
        %parallel_loop3A_201 = arith.constant 16 : i32
        %parallel_loop3A_202 = arith.muli %parallel_loop3A_110, %parallel_loop3A_201 : i32
        %parallel_loop3A_203 = arith.constant 13 : i32
        %parallel_loop3A_204 = arith.index_cast %parallel_loop3A_203 : i32 to index
        %parallel_loop3A_205 = arith.index_cast %parallel_loop3A_202 : i32 to index
        %parallel_loop3A_206 = tpu.vector_load %arg10[%parallel_loop3A_204, %parallel_loop3A_205] {strides = array<i32>} : memref<16x256xf32, #tpu.memory_space<vmem>>, vector<16xf32>,
        %parallel_loop3A_207 = arith.addf %parallel_loop3A_200, %parallel_loop3A_206 : vector<16xf32>
        %parallel_loop3A_208 = arith.constant 16 : i32
        %parallel_loop3A_209 = arith.muli %parallel_loop3A_110, %parallel_loop3A_208 : i32
        %parallel_loop3A_210 = arith.constant 14 : i32
        %parallel_loop3A_211 = arith.index_cast %parallel_loop3A_210 : i32 to index
        %parallel_loop3A_212 = arith.index_cast %parallel_loop3A_209 : i32 to index
        %parallel_loop3A_213 = tpu.vector_load %arg10[%parallel_loop3A_211, %parallel_loop3A_212] {strides = array<i32>} : memref<16x256xf32, #tpu.memory_space<vmem>>, vector<16xf32>,
        %parallel_loop3A_214 = arith.addf %parallel_loop3A_207, %parallel_loop3A_213 : vector<16xf32>
        %parallel_loop3A_215 = arith.constant 16 : i32
        %parallel_loop3A_216 = arith.muli %parallel_loop3A_110, %parallel_loop3A_215 : i32
        %parallel_loop3A_217 = arith.constant 15 : i32
        %parallel_loop3A_218 = arith.index_cast %parallel_loop3A_217 : i32 to index
        %parallel_loop3A_219 = arith.index_cast %parallel_loop3A_216 : i32 to index
        %parallel_loop3A_220 = tpu.vector_load %arg10[%parallel_loop3A_218, %parallel_loop3A_219] {strides = array<i32>} : memref<16x256xf32, #tpu.memory_space<vmem>>, vector<16xf32>,
        %parallel_loop3A_221 = arith.addf %parallel_loop3A_214, %parallel_loop3A_220 : vector<16xf32>
        %parallel_loop3A_222 = arith.constant 16 : i32
        %parallel_loop3A_223 = arith.muli %parallel_loop3A_110, %parallel_loop3A_222 : i32
        %parallel_loop3A_224 = arith.index_cast %parallel_loop3A_223 : i32 to index
        %parallel_loop3A_225 = tpu.vector_load %arg11[%parallel_loop3A_224] {strides = array<i32>} : memref<256xf32, #tpu.memory_space<vmem>>, vector<16xf32>,
        tpu.vector_store %arg11[%parallel_loop3A_224], %parallel_loop3A_221 {strides = array<i32>} : memref<256xf32, #tpu.memory_space<vmem>>, vector<16xf32>,
      } {sc.loop_unroll_factor = 1 : i64, sc.parallel_access}
      %mul3A_108 = arith.constant 256 : i32
      %mul3A_109 = arith.muli %arg1, %mul3A_108 : i32
      "tpu.region"() ({
        %run_scoped3A_110 = tpu.sem_alloc : memref<!tpu.dma_semaphore, #tpu.memory_space<semaphore_mem>>
        %dma_start3A_111 = tpu.memref_slice %arg5[%arg0, %add3A_67, %mul3A_109] : memref<2x20x4096xf32, #tpu.memory_space<hbm>> -> memref<1x1x256xf32, #tpu.memory_space<hbm>>
        %dma_start3A_112 = tpu.memref_squeeze %dma_start3A_111 : memref<1x1x256xf32, #tpu.memory_space<hbm>> -> memref<256xf32, #tpu.memory_space<hbm>>
        %dma_start3A_113 = tpu.memref_slice %arg5[%arg0, %add3A_67, %mul3A_109] : memref<2x20x4096xf32, #tpu.memory_space<hbm>> -> memref<1x1x256xf32, #tpu.memory_space<hbm>>
        %dma_start3A_114 = tpu.memref_squeeze %dma_start3A_113 : memref<1x1x256xf32, #tpu.memory_space<hbm>> -> memref<256xf32, #tpu.memory_space<hbm>>
        tpu.enqueue_dma source(%arg11 : memref<256xf32, #tpu.memory_space<vmem>>) target(%dma_start3A_114 : memref<256xf32, #tpu.memory_space<hbm>>) target_semaphore(%run_scoped3A_110 : memref<!tpu.dma_semaphore, #tpu.memory_space<semaphore_mem>>)
        %dma_wait3A_115 = tpu.memref_slice %arg5[%arg0, %add3A_67, %mul3A_109] : memref<2x20x4096xf32, #tpu.memory_space<hbm>> -> memref<1x1x256xf32, #tpu.memory_space<hbm>>
        %dma_wait3A_116 = tpu.memref_squeeze %dma_wait3A_115 : memref<1x1x256xf32, #tpu.memory_space<hbm>> -> memref<256xf32, #tpu.memory_space<hbm>>
        %dma_wait3A_117 = tpu.memref_slice %arg5[%arg0, %add3A_67, %mul3A_109] : memref<2x20x4096xf32, #tpu.memory_space<hbm>> -> memref<1x1x256xf32, #tpu.memory_space<hbm>>
        %dma_wait3A_118 = tpu.memref_squeeze %dma_wait3A_117 : memref<1x1x256xf32, #tpu.memory_space<hbm>> -> memref<256xf32, #tpu.memory_space<hbm>>
        tpu.wait_dma2 semaphore(%run_scoped3A_110 : memref<!tpu.dma_semaphore, #tpu.memory_space<semaphore_mem>>) src(%arg11 : memref<256xf32, #tpu.memory_space<vmem>>) dst(%dma_wait3A_118 : memref<256xf32, #tpu.memory_space<hbm>>)
        tpu.yield
      }) : () -> ()
    }
    %scan3A_23 = arith.constant 10 : i32
    return
  }
}

</mosaic_0001>

<sc_bundles>
// kernel: kernel.3.cloned.1.call-start
scs
__scs_entry_jumppad:
0x0: {  	(pc) =	sbr.rel $0x88, $3  }
0x1: {  	(tag) =	ssettag $0x0;
	lr =	simm.s32 $0x1  }
0x2: {  	[smem:$0x3F9F] =	sst lr;
	_ =	strace $0xD0000000  }
0x3: {  	_ = 	snop  }
0x4: {  	_ = 	snop  }
0x5: {  	_ = 	snop  }
0x6: {  	_ = 	snop  }
0x7: {  	_ = 	snop  }
__scs_overlays_trampoline_lowered:
0x8: {  	[smem:$0x3FAE] =	sst s0  }
0x9: {  	[smem:$0x3FAF] =	sst s1  }
0xa: {  	[smem:$0x3FB0] =	sst s2  }
0xb: {  	[smem:$0x3FB1] =	sst s3  }
0xc: {  	[smem:$0x3FB2] =	sst s4  }
0xd: {  	[smem:$0x3FB3] =	sst s5  }
0xe: {  	[smem:$0x3FB4] =	sst s6  }
0xf: {  	[smem:$0x3FB5] =	sst s7  }
0x10: {  	[smem:$0x3FB6] =	sst s8  }
0x11: {  	[smem:$0x3FB7] =	sst s9;
	s0 =	simm.s32 @!p0 $0x0  }
0x12: {  	s1 =	sld [smem:$0x3F9D];
	s0 =	simm.s32 @p0 $0x1  }
0x13: {  	[smem:$0x3FB8] =	sst s0;
	s0 =	simm.s32 @!p1 $0x0  }
0x14: {  	s2 =	sld [smem:$0x3F9C];
	s0 =	simm.s32 @p1 $0x1  }
0x15: {  	[smem:$0x3FB9] =	sst s0;
	s0 =	simm.s32 @!p2 $0x0  }
0x16: {  	s3 =	sld [smem:$0x3FDB];
	s0 =	simm.s32 @p2 $0x1  }
0x17: {  	s4 =	simm.s32 $0x1BF5;
	[smem:$0x3FBB] =	sst s0  }
0x18: {  	s0 =	sld [smem:$0x3F9E];
	_ =	swait.ge [sflag:s4], $0x0  }
0x19: {  	s7 =	sld [smem:$0x3F9F]  }
0x1a: {  	s8 =	sadd.s32 $0xFFFFE003, lr  }
0x1b: {  	s9 =	sadd.s32 $0xFFFFFEF7, lr;
	s5 =	simm.s32 $0xFFFFFFFF;
	p2 =	slt.u32 s8, $0xFFFFF086  }
0x1c: {  	p1 =	slt.u32 s9, $0xF7A;
	s5 =	simm.s32 @!p2 $0x0  }
0x1d: {  	s5 =	simm.s32 @p1 $0x1;
	p0 =	seq.s32 s7, s2  }
0x1e: {  	s7 =	smul.u32 @!p0 $0xF7A, s2;
	p2 =	seq.s32 @!p0 s5, $0x0  }
0x1f: {  	s9 =	smul.u32 $0xF7A, s1;
	s8 =	simm.s32 @!p0 $0x1BF5;
	p2 =	por !p2, p0  }
0x20: {  	[sflag:s8] =	ssyncset.s32 @!p0 $0xFFFFF086;
	s6 =	sadd.s32 @!p0 s3, s7;
	s7 =	simm.s32 @!p0 $0x108  }
0x21: {  	s3 =	sadd.s32 s3, s9;
	s6 =	sadd.s32 @!p0 $0x88, s6;
	s7 =	simm.s32 @p2 $0x1082  }
0x22: {  	[simem:s7], [sflag:s8] =	dma.local @!p0 [hbm:s6], $0xF7A  }
0x23: {  	s9 =	sor.u32 $0xD0000000, s2;
	s6 =	simm.s32 $0x108;
	_ =	swait.ge @!p0 [sflag:s8], $0x0  }
0x24: {  	s3 =	sadd.s32 $0x88, s3;
	s6 =	simm.s32 @!p1 $0x1082;
	[sflag:s4] =	ssyncset.s32 $0xFFFFF086  }
0x25: {  	[simem:s6], [sflag:s4] =	dma.local [hbm:s3], $0xF7A  }
0x26: {  	[smem:$0x3F9F] =	sst s1;
	(tag) =	ssettag s2;
	_ =	strace s9  }
0x27: {  	s1 =	sld [smem:$0x3FAF]  }
0x28: {  	s2 =	sld [smem:$0x3FB0]  }
0x29: {  	s4 =	sld [smem:$0x3FB2]  }
0x2a: {  	p0 =	seq.s32 s5, $0x0;
	s5 =	sld [smem:$0x3FB3]  }
0x2b: {  	s6 =	sld [smem:$0x3FB4]  }
0x2c: {  	s7 =	sld [smem:$0x3FB5]  }
0x2d: {  	s3 =	simm.s32 $0x108;
	s8 =	sld [smem:$0x3FB6]  }
0x2e: {  	s3 =	simm.s32 @!p0 $0x1082;
	s9 =	sld [smem:$0x3FB7]  }
0x2f: {  	lr =	sadd.s32 s0, s3;
	s0 =	sld [smem:$0x3FAE]  }
0x30: {  	s3 =	sld [smem:$0x3FB1]  }
0x31: {  	[smem:$0x3FBA] =	sst s10  }
0x32: {  	s10 =	sld [smem:$0x3FB8];
	_ =	sdelay $0x3  }
0x33: {  	p0 =	seq.s32 s10, $0x1;
	s10 =	sld [smem:$0x3FBA];
	_ =	sdelay $0x3  }
0x34: {  	[smem:$0x3FBA] =	sst s10  }
0x35: {  	s10 =	sld [smem:$0x3FB9];
	_ =	sdelay $0x3  }
0x36: {  	p1 =	seq.s32 s10, $0x1;
	s10 =	sld [smem:$0x3FBA];
	_ =	sdelay $0x3  }
0x37: {  	[smem:$0x3FBA] =	sst s10  }
0x38: {  	s10 =	sld [smem:$0x3FBB]  }
0x39: {  	_ = 	snop;
	(pc) =	sbr.ind lr, $3  }
0x3a: {  	_ = 	snop  }
0x3b: {  	_ = 	snop  }
0x3c: {  	p2 =	seq.s32 s10, $0x1;
	s10 =	sld [smem:$0x3FBA]  }
0x3d: {  	_ =	shalt  }
0x3e: {  	_ =	shalt  }
0x3f: {  	_ =	shalt  }
0x40: {  	_ =	shalt  }
0x41: {  	_ =	shalt  }
0x42: {  	_ =	shalt  }
0x43: {  	_ =	shalt  }
0x44: {  	_ =	shalt  }
0x45: {  	_ =	shalt  }
0x46: {  	_ =	shalt  }
0x47: {  	_ =	shalt  }
0x48: {  	_ =	shalt  }
0x49: {  	_ =	shalt  }
0x4a: {  	_ =	shalt  }
0x4b: {  	_ =	shalt  }
0x4c: {  	_ =	shalt  }
0x4d: {  	_ =	shalt  }
0x4e: {  	_ =	shalt  }
0x4f: {  	_ =	shalt  }
0x50: {  	_ =	shalt  }
0x51: {  	_ =	shalt  }
0x52: {  	_ =	shalt  }
0x53: {  	_ =	shalt  }
0x54: {  	_ =	shalt  }
0x55: {  	_ =	shalt  }
0x56: {  	_ =	shalt  }
0x57: {  	_ =	shalt  }
0x58: {  	_ =	shalt  }
0x59: {  	_ =	shalt  }
0x5a: {  	_ =	shalt  }
0x5b: {  	_ =	shalt  }
0x5c: {  	_ =	shalt  }
0x5d: {  	_ =	shalt  }
0x5e: {  	_ =	shalt  }
0x5f: {  	_ =	shalt  }
0x60: {  	_ =	shalt  }
0x61: {  	_ =	shalt  }
0x62: {  	_ =	shalt  }
0x63: {  	_ =	shalt  }
0x64: {  	_ =	shalt  }
0x65: {  	_ =	shalt  }
0x66: {  	_ =	shalt  }
0x67: {  	_ =	shalt  }
0x68: {  	_ =	shalt  }
0x69: {  	_ =	shalt  }
0x6a: {  	_ =	shalt  }
0x6b: {  	_ =	shalt  }
0x6c: {  	_ =	shalt  }
0x6d: {  	_ =	shalt  }
0x6e: {  	_ =	shalt  }
0x6f: {  	_ =	shalt  }
0x70: {  	_ =	shalt  }
0x71: {  	_ =	shalt  }
0x72: {  	_ =	shalt  }
0x73: {  	_ =	shalt  }
0x74: {  	_ =	shalt  }
0x75: {  	_ =	shalt  }
0x76: {  	_ =	shalt  }
0x77: {  	_ =	shalt  }
0x78: {  	_ =	shalt  }
0x79: {  	_ =	shalt  }
0x7a: {  	_ =	shalt  }
0x7b: {  	_ =	shalt  }
0x7c: {  	_ =	shalt  }
0x7d: {  	_ =	shalt  }
0x7e: {  	_ =	shalt  }
0x7f: {  	_ =	shalt  }
0x80: {  	_ =	shalt  }
0x81: {  	_ =	shalt  }
0x82: {  	_ =	shalt  }
0x83: {  	_ =	shalt  }
0x84: {  	_ =	shalt  }
0x85: {  	_ =	shalt  }
0x86: {  	_ =	shalt  }
0x87: {  	_ =	shalt  }
.Lfunc_end0:
.L_simem_size_0:
called_computation_lowered:
.L_overlay_start_0:
0x88: {  	s2 =	sld [smem:$0x3FD9]  }
0x89: {  	s3 =	sld [smem:$0x3FFE];
	_ =	sdelay $0x1  }
0x8a: {  	s1 =	srdreg.scid  }
0x8b: {  	s0 =	sand.u32 $0x1, s1  }
0x8c: {  	s16 =	sshll.u32 s0, $0xA;
	s2 =	sadd.s32 s3, s2  }
0x8d: {  	s2 =	sadd.s32 s2, s16  }
0x8e: {  	[smem:$0x3FC6] =	sst s2  }
0x8f: {  	_ = 	snop  }
0x90: {  	(tm) =	ssettm $0x1  }
0x91: {  	s17 =	sld [smem:$0x3FFB];
	_ =	sdelay $0x3  }
0x92: {  	_ =	strace s17  }
0x93: {  	s2 =	sld [smem:$0x3FFC];
	_ =	sdelay $0x3  }
0x94: {  	_ =	strace s2  }
0x95: {  	s2 =	sld [smem:$0x3FFD];
	_ =	sdelay $0x3  }
0x96: {  	_ =	strace s2  }
0x97: {  	_ =	strace $0x8FFFFFFF  }
0x98: {  	s18 =	sld [smem:$0x3FDB];
	_ =	sdelay $0x1  }
0x99: {  	s19 =	simm.s32 $_scs_section_size  }
0x9a: {  	s4 =	simm.s32 $_size__tile_overlayer_lowered;
	s5 =	simm.s32 $_tile_overlayer_lowered  }
0x9b: {  	s22 =	simm.s32 $0x1BFF;
	s21 =	sshll.u32 s5, $0x1;
	s2 =	sadd.s32 s19, s18  }
0x9c: {  	s6 =	simm.s32 $0x0;
	s20 =	sshll.u32 s4, $0x1;
	s4 =	sadd.s32 s21, s2  }
0x9d: {  	[timem:s6], [sflag:s22] =	dma.local [hbm:s4], s20  }
0x9e: {  	_ =	swait.ge [sflag:s22], s20  }
0x9f: {  	s3 =	ssub.s32 $0x0, s20;
	[sflag:s22] =	ssyncset.done $0x0  }
0xa0: {  	[sflag:s22] =	ssyncadd.s32 s3;
	_ =	sdelay $0x1  }
0xa1: {  	s23 =	simm.s32 $0x1B8B  }
0xa2: {  	_ =	swait.ge [sflag:s23], $0x1  }
0xa3: {  	[sflag:s23] =	ssyncset.done $0x0  }
0xa4: {  	s25 =	simm.s32 $0x1B8E;
	s24 =	sld [smem:$0x3FFE];
	[sflag:s23] =	ssyncadd.s32 $0xFFFFFFFF  }
0xa5: {  	s26 =	simm.s32 $execute0_lowered;
	[smem:$0x3FD2] =	sst s25  }
0xa6: {  	s4 =	sshll.u32 s26, $0x1;
	_ =	strace $0x80000046;
	[dreg:$0x1] =	wrdreg $0xFFFFFFFF  }
0xa7: {  	s28 =	simm.s32 $_size_execute0_lowered;
	s2 =	sadd.s32 s2, s4;
	[dreg:$0x0] =	wrdreg $0x0  }
0xa8: {  	s4 =	sshll.u32 s28, $0x1;
	[dreg:$0x2] =	wrdreg s2  }
0xa9: {  	[dreg:$0x3] =	wrdreg s4  }
0xaa: {  	[dreg:$0x4] =	wrdreg $0xC0  }
0xab: {  	_ =	task [dreg:s6], $0x5FFFF  }
0xac: {  	[dreg:$0x1] =	wrdreg $0xFFFFFFFF  }
0xad: {  	[dreg:$0x0] =	wrdreg $0x60  }
0xae: {  	[dreg:$0x2] =	wrdreg s24  }
0xaf: {  	[dreg:$0x3] =	wrdreg $0x199800  }
0xb0: {  	[dreg:$0x4] =	wrdreg $0x9  }
0xb1: {  	_ =	task.clear_ibuf [dreg:s6], $0x5FFFF;
	_ =	strace $0x90000046  }
0xb2: {  	s29 =	simm.s32 $0x9;
	_ =	strace $0x80000048  }
0xb3: {  	_ =	swait.ge [sflag:s29], $0x1  }
0xb4: {  	[sflag:s29] =	ssyncadd.s32 $0xFFFFFFFF  }
0xb5: {  	_ =	strace $0x90000048  }
0xb6: {  	_ =	sfence  }
0xb7: {  	s30 =	sld [smem:$0x0];
	_ =	sdelay $0x2  }
0xb8: {  	s31 =	sshll.u32 s1, $0xD;
	s1 =	sshrl.u32 s1, $0x2  }
0xb9: {  	s3 =	sand.u32 $0x4000, s31;
	s1 =	sadd.s32 s1, s30  }
0xba: {  	s0 =	sor.u32 s3, s0;
	s1 =	sshll.u32 s1, $0x11  }
0xbb: {  	s0 =	sor.u32 s1, s0  }
0xbc: {  	s0 =	sadd.s32 $0x8F2B, s0  }
0xbd: {  	[sflag:s0] =	ssyncadd.remote.s32 $0x1  }
0xbe: {  	_ =	sfence.sel $0xFFFF  }
0xbf: {  	[dreg:$0x0] =	wrdreg $0xFFFFFFFF;
	(pc) =	sbr.abs _section_cstart, $3  }
0xc0: {  	[dreg:$0x1] =	wrdreg $0xFFFFFFFF  }
0xc1: {  	_ =	task.clear_ibuf [dreg:s6], $0x2FFFF;
	_ =	strace $0x9FFFFFFF  }
0xc2: {  	(tm) =	ssettm $0x7FFFFFFF  }
0xc3: {  	_ =	shalt  }
tec
execute0_lowered:
.L_overlay_start_1:
0x0: {  	(tag) =	ssettag $0x1  }
0x1: {  	s0 =	rddreg [dreg:$0x0]  }
0x2: {  	s2 =	rddreg [dreg:$0x1];
	s1 =	simm.s32 $0x0  }
0x3: {  	s3 =	srdreg.scid;
	s11 =	stileid.u32;
	s18 =	simm.s32 $0x3  }
0x4: {  	s21 =	simm.s32 $0x14880;
	s22 =	simm.s32 $0x16880;
	s28 =	simm.s32 $0x18880  }
0x5: {  	s29 =	simm.s32 $0x19880;
	s30 =	simm.s32 $0x2;
	s31 =	simm.s32 $0x0  }
0x6: {  	[smem:$0x7FF] =	sst s1;
	s5 =	sand.u32 $0x1, s3;
	s3 =	sadd.s32 $0x27200, s0  }
0x7: {  	s4 =	sadd.s32 $0x2C200, s0;
	s8 =	smul.u32 $0x2710, s11;
	s25 =	sshll.u32 s11, $0xC  }
0x8: {  	_ =	strace $0x80000047;
	s6 =	smul.u32 $0x14000, s5;
	s7 =	ssub.s32 $0x2, s5  }
0x9: {  	s5 =	sadd.s32 $0x31200, s0;
	s9 =	sshrl.u32 s7, $0x1;
	s0 =	sadd.s32 s0, s8  }
0xa: {  	s10 =	sshrl.u32 s6, $0x3;
	s7 =	ssub.s32 s7, s9;
	[dreg:$0x3] =	wrdreg s0  }
0xb: {  	s9 =	sshll.u32 s11, $0x8;
	s11 =	sadd.s32 s25, s2;
	s14 =	sor.u32 $0x2000, s6  }
0xc: {  	s25 =	simm.s32 $0x100;
	s23 =	sadd.s32 s3, s10;
	s24 =	sadd.s32 s4, s10  }
0xd: {  	s10 =	sor.u32 $0x1000, s6;
	s12 =	sadd.s32 s9, s2;
	[dreg:$0x4] =	wrdreg s23  }
0xe: {  	s13 =	sor.u32 s9, s6;
	s26 =	smax.u32 s7, $0x1;
	[dreg:$0x5] =	wrdreg s24  }
0xf: {  	s15 =	sadd.s32 $0x10000, s11;
	s16 =	sadd.s32 $0x10000, s12;
	[dreg:$0x6] =	wrdreg s26  }
0x10: {  	s23 =	simm.s32 $0x1;
	s24 =	simm.s32 $0x17880;
	s26 =	simm.s32 $0x1000  }
.LBB2_1:
0x11: {  	s0 =	rddreg [dreg:$0x3]  }
0x12: {  	[tilespmem:s1], [sflag:$0x3] =	stream.linear.gather [hbm4b:s0+s1], $0x13880, $0x38;
	[tilespmem:$0x1B980] =	vst v63  }
0x13: {  	_ =	swait.ge [sflag:s18], $0x13880  }
0x14: {  	[sflag:s18] =	ssyncset.done $0x0  }
0x15: {  	s2 =	simm.s32 $0x13880;
	s17 =	rddreg [dreg:$0x4];
	[sflag:s18] =	ssyncadd.s32 $0xFFFEC780  }
0x16: {  	[tilespmem:s2], [sflag:$0x1] =	stream.linear.gather [hbm4b:s17+s1], $0x1000, $0x38;
	[tilespmem:$0x1B980] =	vst v63  }
0x17: {  	s20 =	simm.s32 $0x15880;
	s0 =	simm.s32 $0x0;
	s19 =	rddreg [dreg:$0x5]  }
0x18: {  	[tilespmem:s20], [sflag:$0x1] =	stream.linear.gather [hbm4b:s19+s1], $0x1000, $0x38;
	[tilespmem:$0x1B980] =	vst v63  }
.LBB2_2:
0x19: {  	s19 =	sshll.u32 s0, $0xD  }
0x1a: {  	s2 =	sadd.s32 s19, s10  }
0x1b: {  	s6 =	sshrl.u32 s2, $0x3  }
0x1c: {  	s7 =	sadd.s32 s3, s6  }
0x1d: {  	[tilespmem:s21], [sflag:$0x2] =	stream.linear.gather [hbm4b:s7+s1], $0x1000, $0x38;
	[tilespmem:$0x1B980] =	vst v63  }
0x1e: {  	s6 =	sadd.s32 s4, s6  }
0x1f: {  	[tilespmem:s22], [sflag:$0x2] =	stream.linear.gather [hbm4b:s6+s1], $0x1000, $0x38;
	[tilespmem:$0x1B980] =	vst v63  }
0x20: {  	_ =	swait.ge [sflag:s23], $0x1000  }
0x21: {  	[sflag:s23] =	ssyncset.done $0x0  }
0x22: {  	[sflag:s23] =	ssyncadd.s32 $0xFFFFF000  }
0x23: {  	_ =	swait.ge [sflag:s23], $0x1000  }
0x24: {  	[sflag:s23] =	ssyncset.done $0x0  }
0x25: {  	s20 =	simm.s32 $0x15890;
	[sflag:s23] =	ssyncadd.s32 $0xFFFFF000  }
0x26: {  	v3 =	vld [tilespmem:s20+$0x0]  }
0x27: {  	v1 =	vld [tilespmem:s20+$0xFFFFFFF0];
	s20 =	simm.s32 $0x13890  }
0x28: {  	v2 =	vld [tilespmem:s20+$0x0]  }
0x29: {  	v4 =	vld [tilespmem:s20+$0xFFFFFFF0];
	_ =	sdelay $0x3  }
0x2a: {  	v0 =	vadd.s32 $0x4E20, v3  }
0x2b: {  	v5 =	vadd.s32 $0x7530, v1;
	v7 =	vld.idx.msk [tilespmem:v3+s1+$0x0], $0xffff  }
0x2c: {  	v14 =	vadd.s32 $0x2710, v3;
	v8 =	vld.idx.msk [tilespmem:v1+s1+$0x0], $0xffff  }
0x2d: {  	v22 =	vadd.s32 $0x7530, v3;
	v12 =	vld.idx.msk [tilespmem:v2+s1+$0x0], $0xffff  }
0x2e: {  	v6 =	vadd.s32 $0x2710, v2;
	v16 =	vld.idx.msk [tilespmem:v4+s1+$0x0], $0xffff  }
0x2f: {  	v9 =	vadd.s32 $0x7530, v4;
	v10 =	vld.idx.msk [tilespmem:v0+s1+$0x0], $0xffff  }
0x30: {  	v13 =	vadd.s32 $0x2710, v4;
	v5 =	vld.idx.msk [tilespmem:v5+s1+$0x0], $0xffff  }
0x31: {  	v26 =	vadd.s32 $0x4E20, v2;
	v14 =	vld.idx.msk [tilespmem:v14+s1+$0x0], $0xffff  }
0x32: {  	v15 =	vadd.s32 $0x2710, v1;
	v22 =	vld.idx.msk [tilespmem:v22+s1+$0x0], $0xffff  }
0x33: {  	v17 =	vadd.s32 $0x4E20, v1;
	v21 =	vadd.s32 $0x9C40, v1;
	v23 =	vadd.s32 $0xC350, v1;
	v6 =	vld.idx.msk [tilespmem:v6+s1+$0x0], $0xffff  }
0x34: {  	v27 =	vadd.s32 $0x9C40, v3;
	v29 =	vadd.s32 $0xC350, v3;
	v0 =	vadd.s32 $0x7530, v2;
	v9 =	vld.idx.msk [tilespmem:v9+s1+$0x0], $0xffff  }
0x35: {  	v30 =	vadd.s32 $0xEA60, v1;
	v31 =	vadd.s32 $0x11170, v1;
	v19 =	vadd.s32 $0x4E20, v4;
	v13 =	vld.idx.msk [tilespmem:v13+s1+$0x0], $0xffff  }
0x36: {  	v11 =	vadd.s32 $0x9C40, v4;
	v18 =	vadd.s32 $0xC350, v2;
	v24 =	vadd.s32 $0x11170, v4;
	v26 =	vld.idx.msk [tilespmem:v26+s1+$0x0], $0xffff  }
0x37: {  	v25 =	vadd.s32 $0x9C40, v2;
	v28 =	vadd.s32 $0xEA60, v4;
	v7 =	vmul.bf16 v7, v12;
	v12 =	vld.idx.msk [tilespmem:v15+s1+$0x0], $0xffff  }
0x38: {  	v1 =	vadd.s32 $0xEA60, v3;
	v8 =	vmul.bf16 v8, v16;
	v16 =	vld.idx.msk [tilespmem:v17+s1+$0x0], $0xffff;
	v17 =	vadd.s32 $0xC350, v4  }
0x39: {  	v20 =	vld.idx.msk [tilespmem:v0+s1+$0x0], $0xffff;
	v0 =	vadd.s32 $0xEA60, v2;
	v2 =	vadd.s32 $0x11170, v2;
	v5 =	vmul.bf16 v5, v9  }
0x3a: {  	v9 =	vld.idx.msk [tilespmem:v19+s1+$0x0], $0xffff;
	v15 =	vunpack.i.l.bf16.f32 v7;
	v19 =	vunpack.i.l.bf16.f32 v8;
	v7 =	vunpack.i.u.bf16.f32 v7  }
0x3b: {  	v27 =	vld.idx.msk [tilespmem:v27+s1+$0x0], $0xffff;
	v8 =	vunpack.i.u.bf16.f32 v8;
	v6 =	vmul.bf16 v14, v6;
	v14 =	vadd.f32 $0.0e+00, v19  }
0x3c: {  	v23 =	vld.idx.msk [tilespmem:v23+s1+$0x0], $0xffff;
	v10 =	vmul.bf16 v10, v26;
	v7 =	vadd.f32 $0.0e+00, v7;
	v8 =	vadd.f32 $0.0e+00, v8  }
0x3d: {  	v11 =	vld.idx.msk [tilespmem:v11+s1+$0x0], $0xffff;
	v4 =	vunpack.i.l.bf16.f32 v5;
	v19 =	vunpack.i.u.bf16.f32 v6;
	v12 =	vmul.bf16 v12, v13  }
0x3e: {  	v6 =	vunpack.i.l.bf16.f32 v6;
	v32 =	vunpack.i.u.bf16.f32 v5;
	v13 =	vadd.f32 $0.0e+00, v15;
	v15 =	vld.idx.msk [tilespmem:v21+s1+$0x0], $0xffff  }
0x3f: {  	v17 =	vld.idx.msk [tilespmem:v17+s1+$0x0], $0xffff;
	v7 =	vadd.f32 v19, v7;
	v21 =	vunpack.i.l.bf16.f32 v12;
	v9 =	vmul.bf16 v16, v9  }
0x40: {  	v25 =	vld.idx.msk [tilespmem:v25+s1+$0x0], $0xffff;
	v12 =	vunpack.i.u.bf16.f32 v12;
	v6 =	vadd.f32 v6, v13;
	v16 =	vmul.bf16 v22, v20  }
0x41: {  	v5 =	vadd.f32 v12, v8;
	v8 =	vunpack.i.u.bf16.f32 v10;
	v12 =	vld.idx.msk [tilespmem:v18+s1+$0x0], $0xffff;
	v18 =	vunpack.i.l.bf16.f32 v10  }
0x42: {  	v19 =	vunpack.i.u.bf16.f32 v9;
	v63 =	vunpack.i.l.bf16.f32 v9;
	v9 =	vld.idx.msk [tilespmem:v29+s1+$0x0], $0xffff;
	v13 =	vadd.f32 v8, v7  }
0x43: {  	v8 =	vadd.f32 v21, v14;
	v14 =	vld.idx.msk [tilespmem:v30+s1+$0x0], $0xffff;
	v20 =	vunpack.i.l.bf16.f32 v16;
	v22 =	vadd.f32 v18, v6  }
0x44: {  	v15 =	vmul.bf16 v15, v11;
	v7 =	vadd.f32 v19, v5;
	v11 =	vld.idx.msk [tilespmem:v28+s1+$0x0], $0xffff;
	v5 =	vmul.bf16 v23, v17  }
0x45: {  	s8 =	simm.s32 $0x0;
	v18 =	vadd.s32 $0x11170, v3;
	v21 =	vmul.bf16 v27, v25;
	v19 =	vadd.f32 v63, v8;
	v8 =	vld.idx.msk [tilespmem:v31+s1+$0x0], $0xffff  }
0x46: {  	s17 =	simm.s32 $0x158B0;
	s7 =	simm.s32 $0x17890;
	s6 =	simm.s32 $0x17890;
	v10 =	vunpack.i.l.bf16.f32 v15;
	v17 =	vadd.f32 v32, v7;
	v7 =	vld.idx.msk [tilespmem:v24+s1+$0x0], $0xffff;
	v6 =	vunpack.i.l.bf16.f32 v5  }
.LBB2_3:
0x47: {  	v3 =	vld [tilespmem:s17+$0x0];
	s8 =	sadd.s32 $0x2, s8;
	v15 =	vunpack.i.u.bf16.f32 v15;
	v16 =	vunpack.i.u.bf16.f32 v16;
	v20 =	vadd.f32 v20, v22;
	s20 =	sadd.s32 $0x20, s20;
	s7 =	sadd.s32 $0x20, s7  }
0x48: {  	v9 =	vmul.bf16 v9, v12;
	v22 =	vld [tilespmem:s17+$0xFFFFFFF0];
	p0 =	slt.u32 s8, $0xFE;
	v13 =	vadd.f32 v16, v13;
	v16 =	vunpack.i.u.bf16.f32 v21  }
0x49: {  	v4 =	vadd.f32 v4, v19;
	v15 =	vadd.f32 v15, v17;
	v17 =	vunpack.i.l.bf16.f32 v21;
	v12 =	vld [tilespmem:s20+$0x0]  }
0x4a: {  	v11 =	vmul.bf16 v14, v11;
	v14 =	vadd.f32 v17, v20;
	v13 =	vadd.f32 v16, v13;
	v16 =	vld.idx.msk [tilespmem:v18+s1+$0x0], $0xffff  }
0x4b: {  	v4 =	vadd.f32 v10, v4;
	v10 =	vunpack.i.u.bf16.f32 v9;
	v9 =	vunpack.i.l.bf16.f32 v9;
	v17 =	vld [tilespmem:s20+$0xFFFFFFF0]  }
0x4c: {  	v20 =	vunpack.i.u.bf16.f32 v11;
	v18 =	vadd.s32 $0x2710, v3;
	v19 =	vadd.s32 $0x4E20, v3;
	v0 =	vld.idx.msk [tilespmem:v0+s1+$0x0], $0xffff  }
0x4d: {  	v9 =	vadd.f32 v9, v14;
	v21 =	vadd.s32 $0x4E20, v22;
	v23 =	vadd.s32 $0x7530, v22;
	v1 =	vld.idx.msk [tilespmem:v1+s1+$0x0], $0xffff  }
0x4e: {  	v14 =	vadd.s32 $0x2710, v22;
	v24 =	vadd.s32 $0x2710, v12;
	v25 =	vadd.s32 $0xC350, v12;
	v2 =	vld.idx.msk [tilespmem:v2+s1+$0x0], $0xffff  }
0x4f: {  	v11 =	vunpack.i.l.bf16.f32 v11;
	v7 =	vmul.bf16 v8, v7;
	v8 =	vadd.f32 v10, v13;
	v26 =	vld.idx.msk [tilespmem:v3+s1+$0x0], $0xffff  }
0x50: {  	v28 =	vadd.s32 $0x7530, v12;
	v10 =	vld.idx.msk [tilespmem:v22+s1+$0x0], $0xffff;
	v13 =	vadd.s32 $0x7530, v17;
	v27 =	vadd.s32 $0x9C40, v17  }
0x51: {  	v30 =	vadd.s32 $0x7530, v3;
	v29 =	vadd.s32 $0x9C40, v22;
	v31 =	vunpack.i.u.bf16.f32 v7;
	v19 =	vld.idx.msk [tilespmem:v19+s1+$0x0], $0xffff  }
0x52: {  	v4 =	vadd.f32 v6, v4;
	v32 =	vadd.s32 $0x2710, v17;
	v33 =	vadd.s32 $0x4E20, v17;
	v23 =	vld.idx.msk [tilespmem:v23+s1+$0x0], $0xffff  }
0x53: {  	v6 =	vadd.s32 $0xC350, v22;
	v7 =	vunpack.i.l.bf16.f32 v7;
	v34 =	vadd.s32 $0x11170, v17;
	v35 =	vld.idx.msk [tilespmem:v12+s1+$0x0], $0xffff  }
0x54: {  	v37 =	vadd.s32 $0x9C40, v3;
	v36 =	vadd.s32 $0x9C40, v12;
	v4 =	vadd.f32 v11, v4;
	v24 =	vld.idx.msk [tilespmem:v24+s1+$0x0], $0xffff  }
0x55: {  	v38 =	vadd.s32 $0xEA60, v17;
	v39 =	vmul.bf16 v1, v0;
	v11 =	vld.idx.msk [tilespmem:v13+s1+$0x0], $0xffff;
	v13 =	vadd.s32 $0x4E20, v12  }
0x56: {  	v41 =	vadd.s32 $0xC350, v3;
	v7 =	vadd.f32 v7, v4;
	v2 =	vmul.bf16 v16, v2;
	v40 =	vld.idx.msk [tilespmem:v17+s1+$0x0], $0xffff  }
0x57: {  	v42 =	vadd.s32 $0xEA60, v22;
	v1 =	vunpack.i.l.bf16.f32 v39;
	v16 =	vld.idx.msk [tilespmem:v28+s1+$0x0], $0xffff  }
0x58: {  	v4 =	vunpack.i.u.bf16.f32 v5;
	v0 =	vadd.s32 $0xEA60, v12;
	v5 =	vadd.f32 v1, v9;
	v27 =	vld.idx.msk [tilespmem:v27+s1+$0x0], $0xffff  }
0x59: {  	v15 =	vadd.f32 v4, v15;
	v4 =	vunpack.i.l.bf16.f32 v2;
	v26 =	vmul.bf16 v26, v35;
	v9 =	vld.idx.msk [tilespmem:v32+s1+$0x0], $0xffff  }
0x5a: {  	v1 =	vadd.s32 $0xEA60, v3;
	v28 =	vadd.s32 $0x11170, v22;
	v22 =	vunpack.i.u.bf16.f32 v2;
	v18 =	vld.idx.msk [tilespmem:v18+s1+$0x0], $0xffff  }
0x5b: {  	v5 =	vadd.f32 v4, v5;
	v11 =	vmul.bf16 v23, v11;
	v23 =	vunpack.i.l.bf16.f32 v26;
	v14 =	vld.idx.msk [tilespmem:v14+s1+$0x0], $0xffff  }
0x5c: {  	v2 =	vadd.s32 $0x11170, v12;
	v12 =	vunpack.i.u.bf16.f32 v39;
	v10 =	vmul.bf16 v10, v40;
	v32 =	vld.idx.msk [tilespmem:v33+s1+$0x0], $0xffff  }
0x5d: {  	v15 =	vadd.f32 v20, v15;
	v17 =	vadd.s32 $0xC350, v17;
	v4 =	vunpack.i.l.bf16.f32 v11;
	v21 =	vld.idx.msk [tilespmem:v21+s1+$0x0], $0xffff  }
0x5e: {  	v8 =	vadd.f32 v12, v8;
	v26 =	vunpack.i.u.bf16.f32 v26;
	v20 =	vunpack.i.l.bf16.f32 v10;
	v13 =	vld.idx.msk [tilespmem:v13+s1+$0x0], $0xffff  }
0x5f: {  	v12 =	vadd.f32 $0.0e+00, v26;
	v10 =	vunpack.i.u.bf16.f32 v10;
	v20 =	vadd.f32 $0.0e+00, v20;
	v26 =	vld.idx.msk [tilespmem:v30+s1+$0x0], $0xffff  }
0x60: {  	v8 =	vadd.f32 v22, v8;
	v23 =	vadd.f32 $0.0e+00, v23;
	v18 =	vmul.bf16 v18, v24;
	v24 =	vld.idx.msk [tilespmem:v37+s1+$0x0], $0xffff  }
0x61: {  	v15 =	vadd.f32 v31, v15;
	v10 =	vadd.f32 $0.0e+00, v10;
	v9 =	vmul.bf16 v14, v9;
	v14 =	vld.idx.msk [tilespmem:v29+s1+$0x0], $0xffff  }
0x62: {  	v5 =	vadd.f32 v5, v8;
	v22 =	vunpack.i.u.bf16.f32 v18;
	v18 =	vunpack.i.l.bf16.f32 v18;
	v17 =	vld.idx.msk [tilespmem:v17+s1+$0x0], $0xffff  }
0x63: {  	v8 =	vunpack.i.l.bf16.f32 v9;
	v21 =	vmul.bf16 v21, v32;
	v12 =	vadd.f32 v22, v12;
	v6 =	vld.idx.msk [tilespmem:v6+s1+$0x0], $0xffff  }
0x64: {  	v9 =	vunpack.i.u.bf16.f32 v9;
	v18 =	vadd.f32 v18, v23;
	v19 =	vmul.bf16 v19, v13;
	[tilespmem:s6+$0x0] =	vst v5  }
0x65: {  	v22 =	vunpack.i.u.bf16.f32 v11;
	v5 =	vunpack.i.u.bf16.f32 v21;
	v21 =	vunpack.i.l.bf16.f32 v21;
	v23 =	vld.idx.msk [tilespmem:v36+s1+$0x0], $0xffff  }
0x66: {  	v7 =	vadd.f32 v7, v15;
	v10 =	vadd.f32 v9, v10;
	v11 =	vunpack.i.u.bf16.f32 v19;
	v9 =	vld.idx.msk [tilespmem:v41+s1+$0x0], $0xffff  }
.Ltmp0:
0x67: {  	v16 =	vmul.bf16 v26, v16;
	v15 =	vmul.bf16 v14, v27;
	v13 =	vadd.f32 v11, v12;
	v12 =	vld.idx.msk [tilespmem:v25+s1+$0x0], $0xffff;
	(pc) =	sbr.rel @p0 .LBB2_3-.Ltmp0, $4  }
0x68: {  	v8 =	vadd.f32 v8, v20;
	v19 =	vunpack.i.l.bf16.f32 v19;
	v25 =	vadd.f32 v5, v10;
	v11 =	vld.idx.msk [tilespmem:v38+s1+$0x0], $0xffff;
	[tilespmem:s6+$0xFFFFFFF0] =	vst v7;
	s6 =	smov.u32 s7  }
0x69: {  	v20 =	vunpack.i.l.bf16.f32 v16;
	v10 =	vunpack.i.l.bf16.f32 v15;
	v5 =	vmul.bf16 v6, v17;
	v14 =	vld.idx.msk [tilespmem:v42+s1+$0x0], $0xffff  }
0x6a: {  	v17 =	vadd.f32 v22, v25;
	v22 =	vadd.f32 v19, v18;
	v18 =	vadd.s32 $0x11170, v3;
	v7 =	vld.idx.msk [tilespmem:v34+s1+$0x0], $0xffff  }
0x6b: {  	s17 =	sadd.s32 $0x20, s17;
	v19 =	vadd.f32 v21, v8;
	v6 =	vunpack.i.l.bf16.f32 v5;
	v21 =	vmul.bf16 v24, v23;
	v8 =	vld.idx.msk [tilespmem:v28+s1+$0x0], $0xffff  }
0x6c: {  	_ =	sdelay $0x3  }
0x6d: {  	v3 =	vunpack.i.u.bf16.f32 v15;
	v58 =	vld.idx.msk [tilespmem:v18+s1+$0x0], $0xffff  }
0x6e: {  	v57 =	vunpack.i.u.bf16.f32 v16;
	v59 =	vadd.f32 v20, v22;
	v0 =	vld.idx.msk [tilespmem:v0+s1+$0x0], $0xffff;
	v9 =	vmul.bf16 v9, v12  }
0x6f: {  	v1 =	vld.idx.msk [tilespmem:v1+s1+$0x0], $0xffff;
	v13 =	vadd.f32 v57, v13;
	v60 =	vunpack.i.u.bf16.f32 v21;
	v4 =	vadd.f32 v4, v19  }
0x70: {  	v2 =	vld.idx.msk [tilespmem:v2+s1+$0x0], $0xffff;
	v61 =	vunpack.i.l.bf16.f32 v21;
	v3 =	vadd.f32 v3, v17;
	v11 =	vmul.bf16 v14, v11  }
0x71: {  	v12 =	vadd.f32 v61, v59;
	v62 =	vunpack.i.u.bf16.f32 v9;
	v4 =	vadd.f32 v10, v4  }
0x72: {  	v9 =	vunpack.i.l.bf16.f32 v9;
	v13 =	vadd.f32 v60, v13;
	v14 =	vunpack.i.u.bf16.f32 v11  }
0x73: {  	v9 =	vadd.f32 v9, v12;
	v11 =	vunpack.i.l.bf16.f32 v11;
	v4 =	vadd.f32 v6, v4  }
0x74: {  	v6 =	vmul.bf16 v8, v7;
	v7 =	vadd.f32 v62, v13;
	v0 =	vmul.bf16 v1, v0  }
0x75: {  	v2 =	vmul.bf16 v58, v2;
	v1 =	vadd.f32 v11, v4;
	v4 =	vunpack.i.u.bf16.f32 v5  }
0x76: {  	v5 =	vunpack.i.l.bf16.f32 v0;
	v0 =	vunpack.i.u.bf16.f32 v0;
	v3 =	vadd.f32 v4, v3  }
0x77: {  	v4 =	vunpack.i.u.bf16.f32 v6;
	v5 =	vadd.f32 v5, v9;
	v0 =	vadd.f32 v0, v7  }
0x78: {  	v7 =	vunpack.i.l.bf16.f32 v2;
	v2 =	vunpack.i.u.bf16.f32 v2;
	v3 =	vadd.f32 v14, v3  }
0x79: {  	v6 =	vunpack.i.l.bf16.f32 v6;
	v5 =	vadd.f32 v7, v5;
	v0 =	vadd.f32 v2, v0  }
0x7a: {  	v1 =	vadd.f32 v6, v1;
	v2 =	vadd.f32 v4, v3  }
0x7b: {  	v0 =	vadd.f32 v5, v0  }
0x7c: {  	v1 =	vadd.f32 v1, v2  }
0x7d: {  	[tilespmem:s6+$0x0] =	vst v0  }
0x7e: {  	[tilespmem:s6+$0xFFFFFFF0] =	vst v1  }
0x7f: {  	[spmem:s11] =	stream.linear.scatter [tilespmem:s24], [sflag:$0x3], $0x1000, $0x38;
	[tilespmem:$0x1B980] =	vst v63  }
0x80: {  	_ =	swait.ge [sflag:s18], $0x1000  }
0x81: {  	[sflag:s18] =	ssyncset.done $0x0  }
0x82: {  	[sflag:s18] =	ssyncadd.s32 $0xFFFFF000  }
0x83: {  	[bflag:$0x0] =	sbarrier.arrive $0xFFFF  }
0x84: {  	[tilespmem:s28], [sflag:$0x3] =	stream.strided.gather [spmem:s12], $0x1000, s26, s25, $0x38;
	[tilespmem:$0x1B980] =	vst v63  }
0x85: {  	_ =	swait.ge [sflag:s18], $0x1000  }
0x86: {  	[sflag:s18] =	ssyncset.done $0x0  }
0x87: {  	s6 =	simm.s32 $0x0;
	[sflag:s18] =	ssyncadd.s32 $0xFFFFF000  }
0x88: {  	v0 =	vld [tilespmem:s6+$0x18880]  }
0x89: {  	v1 =	vld [tilespmem:s6+$0x18980];
	_ =	sdelay $0x1  }
0x8a: {  	v2 =	vld [tilespmem:s6+$0x18A80];
	_ =	sdelay $0x1  }
0x8b: {  	v3 =	vld [tilespmem:s6+$0x18B80]  }
0x8c: {  	v0 =	vadd.f32 v1, v0  }
0x8d: {  	v1 =	vld [tilespmem:s6+$0x18C80]  }
0x8e: {  	v0 =	vadd.f32 v2, v0  }
0x8f: {  	v2 =	vld [tilespmem:s6+$0x18D80]  }
0x90: {  	v0 =	vadd.f32 v3, v0  }
0x91: {  	v3 =	vld [tilespmem:s6+$0x18E80]  }
0x92: {  	v0 =	vadd.f32 v1, v0  }
0x93: {  	v1 =	vld [tilespmem:s6+$0x18F80]  }
0x94: {  	s7 =	simm.s32 $0x10;
	v4 =	vld [tilespmem:s6+$0x19080];
	v0 =	vadd.f32 v2, v0  }
0x95: {  	v5 =	vld [tilespmem:s7+$0x18880]  }
0x96: {  	v2 =	vld [tilespmem:s6+$0x19180];
	v0 =	vadd.f32 v3, v0  }
0x97: {  	v3 =	vld [tilespmem:s7+$0x18980]  }
0x98: {  	v6 =	vld [tilespmem:s7+$0x18A80];
	v0 =	vadd.f32 v1, v0  }
0x99: {  	v1 =	vld [tilespmem:s6+$0x19280]  }
0x9a: {  	v7 =	vld [tilespmem:s7+$0x18B80];
	v0 =	vadd.f32 v4, v0  }
0x9b: {  	v4 =	vld [tilespmem:s6+$0x19380]  }
0x9c: {  	v3 =	vadd.f32 v3, v5;
	v5 =	vld [tilespmem:s7+$0x18C80];
	v0 =	vadd.f32 v2, v0  }
0x9d: {  	v2 =	vld [tilespmem:s6+$0x19480]  }
0x9e: {  	v3 =	vadd.f32 v6, v3;
	v6 =	vld [tilespmem:s6+$0x19580];
	v0 =	vadd.f32 v1, v0  }
0x9f: {  	v1 =	vld [tilespmem:s7+$0x18D80]  }
0xa0: {  	v8 =	vld [tilespmem:s7+$0x18E80];
	v3 =	vadd.f32 v7, v3;
	v0 =	vadd.f32 v4, v0  }
0xa1: {  	v7 =	vld [tilespmem:s6+$0x19680]  }
0xa2: {  	v4 =	vadd.f32 v5, v3;
	v3 =	vld [tilespmem:s7+$0x18F80];
	v2 =	vadd.f32 v2, v0  }
0xa3: {  	s8 =	simm.s32 $0x20;
	v0 =	vld [tilespmem:s6+$0x19780]  }
0xa4: {  	v5 =	vld [tilespmem:s8+$0x18880];
	v63 =	vadd.f32 v1, v4;
	v2 =	vadd.f32 v6, v2  }
0xa5: {  	v4 =	vld [tilespmem:s7+$0x19080]  }
0xa6: {  	s17 =	simm.s32 $0xC0;
	v1 =	vld [tilespmem:s7+$0x19180];
	v6 =	vadd.f32 v8, v63;
	v2 =	vadd.f32 v7, v2  }
.LBB2_5:
0xa7: {  	p0 =	sne.s32 s17, $0x3C0;
	v7 =	vld [tilespmem:s8+$0x18980]  }
0xa8: {  	v3 =	vadd.f32 v3, v6;
	v6 =	vld [tilespmem:s7+$0x19280];
	v0 =	vadd.f32 v0, v2  }
0xa9: {  	v2 =	vld [tilespmem:s8+$0x18A80]  }
0xaa: {  	v3 =	vadd.f32 v4, v3;
	v4 =	vld [tilespmem:s7+$0x19380];
	[tilespmem:s6+$0x19880] =	vst v0;
	s6 =	smov.u32 s7;
	s7 =	smov.u32 s8  }
0xab: {  	v0 =	vld [tilespmem:s7+$0x18B80]  }
0xac: {  	v5 =	vadd.f32 v7, v5;
	v1 =	vadd.f32 v1, v3;
	v3 =	vld [tilespmem:s6+$0x19480]  }
0xad: {  	v7 =	vld [tilespmem:s7+$0x18C80]  }
0xae: {  	v2 =	vadd.f32 v2, v5;
	v1 =	vadd.f32 v6, v1;
	v5 =	vld [tilespmem:s6+$0x19580]  }
0xaf: {  	v6 =	vld [tilespmem:s7+$0x18D80]  }
0xb0: {  	v0 =	vadd.f32 v0, v2;
	v1 =	vadd.f32 v4, v1;
	v2 =	vld [tilespmem:s6+$0x19680]  }
0xb1: {  	v8 =	vld [tilespmem:s7+$0x18E80]  }
.Ltmp1:
0xb2: {  	v4 =	vadd.f32 v7, v0;
	v7 =	vadd.f32 v3, v1;
	v0 =	vld [tilespmem:s6+$0x19780];
	(pc) =	sbr.rel @p0 .LBB2_5-.Ltmp1, $4  }
0xb3: {  	v3 =	vld [tilespmem:s7+$0x18F80]  }
0xb4: {  	v6 =	vadd.f32 v6, v4;
	v1 =	vld [tilespmem:s7+$0x19180];
	v7 =	vadd.f32 v5, v7  }
0xb5: {  	s8 =	sshra.s32 s17, $0x2;
	v4 =	vld [tilespmem:s7+$0x19080]  }
0xb6: {  	s17 =	sadd.s32 $0x40, s17;
	v5 =	vld [tilespmem:s8+$0x18880];
	v6 =	vadd.f32 v8, v6;
	v2 =	vadd.f32 v2, v7  }
0xb7: {  	v7 =	vld [tilespmem:s8+$0x18980];
	_ =	sdelay $0x1  }
0xb8: {  	v8 =	vld [tilespmem:s8+$0x18A80];
	_ =	sdelay $0x1  }
0xb9: {  	v9 =	vld [tilespmem:s8+$0x18B80]  }
0xba: {  	v5 =	vadd.f32 v7, v5  }
0xbb: {  	v7 =	vld [tilespmem:s8+$0x18C80]  }
0xbc: {  	v5 =	vadd.f32 v8, v5  }
0xbd: {  	v8 =	vld [tilespmem:s8+$0x18D80]  }
0xbe: {  	v5 =	vadd.f32 v9, v5  }
0xbf: {  	v9 =	vld [tilespmem:s8+$0x18E80]  }
0xc0: {  	v5 =	vadd.f32 v7, v5  }
0xc1: {  	v7 =	vld [tilespmem:s8+$0x18F80]  }
0xc2: {  	v5 =	vadd.f32 v8, v5  }
0xc3: {  	v8 =	vld [tilespmem:s8+$0x19080]  }
0xc4: {  	v5 =	vadd.f32 v9, v5  }
0xc5: {  	v3 =	vadd.f32 v3, v6;
	v6 =	vld [tilespmem:s8+$0x19180]  }
0xc6: {  	v9 =	vld [tilespmem:s7+$0x19280];
	v5 =	vadd.f32 v7, v5  }
0xc7: {  	v3 =	vadd.f32 v4, v3;
	v4 =	vld [tilespmem:s8+$0x19280]  }
0xc8: {  	v7 =	vld [tilespmem:s7+$0x19380];
	v5 =	vadd.f32 v8, v5  }
0xc9: {  	v1 =	vadd.f32 v1, v3;
	v3 =	vld [tilespmem:s8+$0x19380]  }
0xca: {  	v8 =	vld [tilespmem:s7+$0x19480];
	v5 =	vadd.f32 v6, v5  }
0xcb: {  	v1 =	vadd.f32 v9, v1;
	v6 =	vld [tilespmem:s8+$0x19480]  }
0xcc: {  	v9 =	vld [tilespmem:s7+$0x19580];
	v4 =	vadd.f32 v4, v5  }
0xcd: {  	v1 =	vadd.f32 v7, v1;
	v5 =	vld [tilespmem:s8+$0x19580]  }
0xce: {  	v7 =	vld [tilespmem:s7+$0x19680];
	v3 =	vadd.f32 v3, v4  }
0xcf: {  	v1 =	vadd.f32 v8, v1;
	v4 =	vld [tilespmem:s8+$0x19680]  }
0xd0: {  	v8 =	vld [tilespmem:s7+$0x19780];
	v3 =	vadd.f32 v6, v3  }
0xd1: {  	v1 =	vadd.f32 v9, v1;
	v6 =	vld [tilespmem:s8+$0x19780]  }
0xd2: {  	v3 =	vadd.f32 v5, v3  }
0xd3: {  	v1 =	vadd.f32 v7, v1  }
0xd4: {  	v0 =	vadd.f32 v0, v2;
	v2 =	vadd.f32 v4, v3  }
0xd5: {  	v1 =	vadd.f32 v8, v1  }
0xd6: {  	s17 =	sadd.s32 s13, s19;
	[tilespmem:s6+$0x19880] =	vst v0;
	v0 =	vadd.f32 v6, v2  }
0xd7: {  	s6 =	sshrl.u32 s17, $0x3;
	[tilespmem:s7+$0x19880] =	vst v1  }
0xd8: {  	p0 =	seq.s32 s0, $0x9;
	s6 =	sadd.s32 s5, s6;
	[tilespmem:s8+$0x19880] =	vst v0  }
0xd9: {  	[hbm4b:s6+s1] =	stream.linear.scatter [tilespmem:s29], [sflag:$0x3], $0x100, $0x38;
	[tilespmem:$0x1B980] =	vst v63  }
0xda: {  	s6 =	sadd.s32 @!p0 s19, s14;
	_ =	swait.ge [sflag:s18], $0x100  }
0xdb: {  	s17 =	simm.s32 @!p0 $0x13880;
	s6 =	sshrl.u32 @!p0 s6, $0x3;
	[sflag:s18] =	ssyncset.done $0x0  }
0xdc: {  	s8 =	simm.s32 @!p0 $0x0;
	s7 =	sadd.s32 @!p0 s3, s6;
	[sflag:s18] =	ssyncadd.s32 $0xFFFFFF00  }
0xdd: {  	[tilespmem:s17], [sflag:$0x1] =	stream.linear.gather @!p0 [hbm4b:s7+s8], $0x1000, $0x38;
	[tilespmem:$0x1B980] =	vst v63  }
0xde: {  	s6 =	sadd.s32 @!p0 s4, s6;
	s7 =	simm.s32 @!p0 $0x15880  }
0xdf: {  	[tilespmem:s7], [sflag:$0x1] =	stream.linear.gather @!p0 [hbm4b:s6+s8], $0x1000, $0x38;
	[tilespmem:$0x1B980] =	vst v63  }
0xe0: {  	_ =	swait.ge [sflag:s30], $0x1000  }
0xe1: {  	[sflag:s30] =	ssyncset.done $0x0  }
0xe2: {  	[sflag:s30] =	ssyncadd.s32 $0xFFFFF000  }
0xe3: {  	_ =	swait.ge [sflag:s30], $0x1000  }
0xe4: {  	[sflag:s30] =	ssyncset.done $0x0  }
0xe5: {  	s20 =	simm.s32 $0x16890;
	[sflag:s30] =	ssyncadd.s32 $0xFFFFF000  }
0xe6: {  	v3 =	vld [tilespmem:s20+$0x0]  }
0xe7: {  	s19 =	simm.s32 $0x14890;
	v1 =	vld [tilespmem:s20+$0xFFFFFFF0]  }
0xe8: {  	v2 =	vld [tilespmem:s19+$0x0]  }
0xe9: {  	v4 =	vld [tilespmem:s19+$0xFFFFFFF0];
	_ =	sdelay $0x3  }
0xea: {  	v0 =	vadd.s32 $0x4E20, v3  }
0xeb: {  	v5 =	vadd.s32 $0x7530, v1;
	v7 =	vld.idx.msk [tilespmem:v3+s1+$0x0], $0xffff  }
0xec: {  	v6 =	vadd.s32 $0x2710, v2;
	v8 =	vld.idx.msk [tilespmem:v1+s1+$0x0], $0xffff  }
0xed: {  	v9 =	vadd.s32 $0x7530, v4;
	v12 =	vld.idx.msk [tilespmem:v2+s1+$0x0], $0xffff  }
0xee: {  	v11 =	vadd.s32 $0x9C40, v4;
	v16 =	vld.idx.msk [tilespmem:v4+s1+$0x0], $0xffff  }
0xef: {  	v13 =	vadd.s32 $0x2710, v4;
	v10 =	vld.idx.msk [tilespmem:v0+s1+$0x0], $0xffff  }
0xf0: {  	v14 =	vadd.s32 $0x2710, v3;
	v5 =	vld.idx.msk [tilespmem:v5+s1+$0x0], $0xffff  }
0xf1: {  	v26 =	vadd.s32 $0x4E20, v2;
	v6 =	vld.idx.msk [tilespmem:v6+s1+$0x0], $0xffff  }
0xf2: {  	v15 =	vadd.s32 $0x2710, v1;
	v9 =	vld.idx.msk [tilespmem:v9+s1+$0x0], $0xffff  }
0xf3: {  	v17 =	vadd.s32 $0x4E20, v1;
	v18 =	vadd.s32 $0xC350, v2;
	v19 =	vadd.s32 $0x4E20, v4;
	v11 =	vld.idx.msk [tilespmem:v11+s1+$0x0], $0xffff  }
0xf4: {  	v21 =	vadd.s32 $0x9C40, v1;
	v22 =	vadd.s32 $0x7530, v3;
	v0 =	vadd.s32 $0x7530, v2;
	v13 =	vld.idx.msk [tilespmem:v13+s1+$0x0], $0xffff  }
0xf5: {  	v23 =	vadd.s32 $0xC350, v1;
	v24 =	vadd.s32 $0x11170, v4;
	v25 =	vadd.s32 $0x9C40, v2;
	v14 =	vld.idx.msk [tilespmem:v14+s1+$0x0], $0xffff  }
0xf6: {  	v27 =	vadd.s32 $0x9C40, v3;
	v28 =	vadd.s32 $0xEA60, v4;
	v29 =	vadd.s32 $0xC350, v3;
	v26 =	vld.idx.msk [tilespmem:v26+s1+$0x0], $0xffff  }
0xf7: {  	v30 =	vadd.s32 $0xEA60, v1;
	v31 =	vadd.s32 $0x11170, v1;
	v7 =	vmul.bf16 v7, v12;
	v12 =	vld.idx.msk [tilespmem:v15+s1+$0x0], $0xffff  }
0xf8: {  	v1 =	vadd.s32 $0xEA60, v3;
	v8 =	vmul.bf16 v8, v16;
	v16 =	vld.idx.msk [tilespmem:v17+s1+$0x0], $0xffff;
	v17 =	vadd.s32 $0xC350, v4  }
0xf9: {  	v20 =	vld.idx.msk [tilespmem:v0+s1+$0x0], $0xffff;
	v0 =	vadd.s32 $0xEA60, v2;
	v5 =	vmul.bf16 v5, v9;
	v15 =	vunpack.i.l.bf16.f32 v7  }
0xfa: {  	v9 =	vld.idx.msk [tilespmem:v19+s1+$0x0], $0xffff;
	v2 =	vadd.s32 $0x11170, v2;
	v19 =	vunpack.i.l.bf16.f32 v8;
	v7 =	vunpack.i.u.bf16.f32 v7  }
0xfb: {  	v22 =	vld.idx.msk [tilespmem:v22+s1+$0x0], $0xffff;
	v8 =	vunpack.i.u.bf16.f32 v8;
	v6 =	vmul.bf16 v14, v6;
	v14 =	vadd.f32 $0.0e+00, v19  }
0xfc: {  	v27 =	vld.idx.msk [tilespmem:v27+s1+$0x0], $0xffff;
	v10 =	vmul.bf16 v10, v26;
	v7 =	vadd.f32 $0.0e+00, v7;
	v8 =	vadd.f32 $0.0e+00, v8  }
0xfd: {  	v23 =	vld.idx.msk [tilespmem:v23+s1+$0x0], $0xffff;
	v4 =	vunpack.i.l.bf16.f32 v5;
	v19 =	vunpack.i.u.bf16.f32 v6;
	v12 =	vmul.bf16 v12, v13  }
0xfe: {  	v6 =	vunpack.i.l.bf16.f32 v6;
	v32 =	vunpack.i.u.bf16.f32 v5;
	v13 =	vadd.f32 $0.0e+00, v15;
	v15 =	vld.idx.msk [tilespmem:v21+s1+$0x0], $0xffff  }
0xff: {  	v17 =	vld.idx.msk [tilespmem:v17+s1+$0x0], $0xffff;
	v7 =	vadd.f32 v19, v7;
	v21 =	vunpack.i.l.bf16.f32 v12;
	v9 =	vmul.bf16 v16, v9  }
0x100: {  	v25 =	vld.idx.msk [tilespmem:v25+s1+$0x0], $0xffff;
	v12 =	vunpack.i.u.bf16.f32 v12;
	v6 =	vadd.f32 v6, v13;
	v16 =	vmul.bf16 v22, v20  }
0x101: {  	v5 =	vadd.f32 v12, v8;
	v8 =	vunpack.i.u.bf16.f32 v10;
	v12 =	vld.idx.msk [tilespmem:v18+s1+$0x0], $0xffff;
	v18 =	vunpack.i.l.bf16.f32 v10  }
0x102: {  	v19 =	vunpack.i.u.bf16.f32 v9;
	v63 =	vunpack.i.l.bf16.f32 v9;
	v9 =	vld.idx.msk [tilespmem:v29+s1+$0x0], $0xffff;
	v13 =	vadd.f32 v8, v7  }
0x103: {  	v8 =	vadd.f32 v21, v14;
	v14 =	vld.idx.msk [tilespmem:v30+s1+$0x0], $0xffff;
	v20 =	vunpack.i.l.bf16.f32 v16;
	v22 =	vadd.f32 v18, v6  }
0x104: {  	v15 =	vmul.bf16 v15, v11;
	v7 =	vadd.f32 v19, v5;
	v11 =	vld.idx.msk [tilespmem:v28+s1+$0x0], $0xffff;
	v5 =	vmul.bf16 v23, v17  }
0x105: {  	s17 =	simm.s32 $0x168B0;
	v18 =	vadd.s32 $0x11170, v3;
	v21 =	vmul.bf16 v27, v25;
	v19 =	vadd.f32 v63, v8;
	v8 =	vld.idx.msk [tilespmem:v31+s1+$0x0], $0xffff  }
0x106: {  	s7 =	simm.s32 $0x17890;
	s8 =	simm.s32 $0x0;
	s6 =	simm.s32 $0x17890;
	v10 =	vunpack.i.l.bf16.f32 v15;
	v17 =	vadd.f32 v32, v7;
	v7 =	vld.idx.msk [tilespmem:v24+s1+$0x0], $0xffff;
	v6 =	vunpack.i.l.bf16.f32 v5  }
.LBB2_7:
0x107: {  	v3 =	vld [tilespmem:s17+$0x0];
	s8 =	sadd.s32 $0x2, s8;
	v15 =	vunpack.i.u.bf16.f32 v15;
	v16 =	vunpack.i.u.bf16.f32 v16;
	v20 =	vadd.f32 v20, v22;
	s19 =	sadd.s32 $0x20, s19;
	s7 =	sadd.s32 $0x20, s7  }
0x108: {  	v9 =	vmul.bf16 v9, v12;
	v22 =	vld [tilespmem:s17+$0xFFFFFFF0];
	p0 =	slt.u32 s8, $0xFE;
	v13 =	vadd.f32 v16, v13;
	v16 =	vunpack.i.u.bf16.f32 v21  }
0x109: {  	v4 =	vadd.f32 v4, v19;
	v15 =	vadd.f32 v15, v17;
	v17 =	vunpack.i.l.bf16.f32 v21;
	v12 =	vld [tilespmem:s19+$0x0]  }
0x10a: {  	v11 =	vmul.bf16 v14, v11;
	v14 =	vadd.f32 v17, v20;
	v13 =	vadd.f32 v16, v13;
	v16 =	vld.idx.msk [tilespmem:v18+s1+$0x0], $0xffff  }
0x10b: {  	v4 =	vadd.f32 v10, v4;
	v10 =	vunpack.i.u.bf16.f32 v9;
	v9 =	vunpack.i.l.bf16.f32 v9;
	v17 =	vld [tilespmem:s19+$0xFFFFFFF0]  }
0x10c: {  	v20 =	vunpack.i.u.bf16.f32 v11;
	v18 =	vadd.s32 $0x2710, v3;
	v19 =	vadd.s32 $0x4E20, v3;
	v0 =	vld.idx.msk [tilespmem:v0+s1+$0x0], $0xffff  }
0x10d: {  	v9 =	vadd.f32 v9, v14;
	v21 =	vadd.s32 $0x4E20, v22;
	v23 =	vadd.s32 $0x7530, v22;
	v1 =	vld.idx.msk [tilespmem:v1+s1+$0x0], $0xffff  }
0x10e: {  	v14 =	vadd.s32 $0x2710, v22;
	v24 =	vadd.s32 $0x2710, v12;
	v25 =	vadd.s32 $0xC350, v12;
	v2 =	vld.idx.msk [tilespmem:v2+s1+$0x0], $0xffff  }
0x10f: {  	v11 =	vunpack.i.l.bf16.f32 v11;
	v7 =	vmul.bf16 v8, v7;
	v8 =	vadd.f32 v10, v13;
	v26 =	vld.idx.msk [tilespmem:v3+s1+$0x0], $0xffff  }
0x110: {  	v28 =	vadd.s32 $0x7530, v12;
	v10 =	vld.idx.msk [tilespmem:v22+s1+$0x0], $0xffff;
	v13 =	vadd.s32 $0x7530, v17;
	v27 =	vadd.s32 $0x9C40, v17  }
0x111: {  	v30 =	vadd.s32 $0x7530, v3;
	v29 =	vadd.s32 $0x9C40, v22;
	v31 =	vunpack.i.u.bf16.f32 v7;
	v19 =	vld.idx.msk [tilespmem:v19+s1+$0x0], $0xffff  }
0x112: {  	v4 =	vadd.f32 v6, v4;
	v32 =	vadd.s32 $0x2710, v17;
	v33 =	vadd.s32 $0x4E20, v17;
	v23 =	vld.idx.msk [tilespmem:v23+s1+$0x0], $0xffff  }
0x113: {  	v6 =	vadd.s32 $0xC350, v22;
	v7 =	vunpack.i.l.bf16.f32 v7;
	v34 =	vadd.s32 $0x11170, v17;
	v35 =	vld.idx.msk [tilespmem:v12+s1+$0x0], $0xffff  }
0x114: {  	v37 =	vadd.s32 $0x9C40, v3;
	v36 =	vadd.s32 $0x9C40, v12;
	v4 =	vadd.f32 v11, v4;
	v24 =	vld.idx.msk [tilespmem:v24+s1+$0x0], $0xffff  }
0x115: {  	v38 =	vadd.s32 $0xEA60, v17;
	v39 =	vmul.bf16 v1, v0;
	v11 =	vld.idx.msk [tilespmem:v13+s1+$0x0], $0xffff;
	v13 =	vadd.s32 $0x4E20, v12  }
0x116: {  	v41 =	vadd.s32 $0xC350, v3;
	v7 =	vadd.f32 v7, v4;
	v2 =	vmul.bf16 v16, v2;
	v40 =	vld.idx.msk [tilespmem:v17+s1+$0x0], $0xffff  }
0x117: {  	v42 =	vadd.s32 $0xEA60, v22;
	v1 =	vunpack.i.l.bf16.f32 v39;
	v16 =	vld.idx.msk [tilespmem:v28+s1+$0x0], $0xffff  }
0x118: {  	v4 =	vunpack.i.u.bf16.f32 v5;
	v0 =	vadd.s32 $0xEA60, v12;
	v5 =	vadd.f32 v1, v9;
	v27 =	vld.idx.msk [tilespmem:v27+s1+$0x0], $0xffff  }
0x119: {  	v15 =	vadd.f32 v4, v15;
	v4 =	vunpack.i.l.bf16.f32 v2;
	v26 =	vmul.bf16 v26, v35;
	v9 =	vld.idx.msk [tilespmem:v32+s1+$0x0], $0xffff  }
0x11a: {  	v1 =	vadd.s32 $0xEA60, v3;
	v28 =	vadd.s32 $0x11170, v22;
	v22 =	vunpack.i.u.bf16.f32 v2;
	v18 =	vld.idx.msk [tilespmem:v18+s1+$0x0], $0xffff  }
0x11b: {  	v5 =	vadd.f32 v4, v5;
	v11 =	vmul.bf16 v23, v11;
	v23 =	vunpack.i.l.bf16.f32 v26;
	v14 =	vld.idx.msk [tilespmem:v14+s1+$0x0], $0xffff  }
0x11c: {  	v2 =	vadd.s32 $0x11170, v12;
	v12 =	vunpack.i.u.bf16.f32 v39;
	v10 =	vmul.bf16 v10, v40;
	v32 =	vld.idx.msk [tilespmem:v33+s1+$0x0], $0xffff  }
0x11d: {  	v15 =	vadd.f32 v20, v15;
	v17 =	vadd.s32 $0xC350, v17;
	v4 =	vunpack.i.l.bf16.f32 v11;
	v21 =	vld.idx.msk [tilespmem:v21+s1+$0x0], $0xffff  }
0x11e: {  	v8 =	vadd.f32 v12, v8;
	v26 =	vunpack.i.u.bf16.f32 v26;
	v20 =	vunpack.i.l.bf16.f32 v10;
	v13 =	vld.idx.msk [tilespmem:v13+s1+$0x0], $0xffff  }
0x11f: {  	v12 =	vadd.f32 $0.0e+00, v26;
	v10 =	vunpack.i.u.bf16.f32 v10;
	v20 =	vadd.f32 $0.0e+00, v20;
	v26 =	vld.idx.msk [tilespmem:v30+s1+$0x0], $0xffff  }
0x120: {  	v8 =	vadd.f32 v22, v8;
	v23 =	vadd.f32 $0.0e+00, v23;
	v18 =	vmul.bf16 v18, v24;
	v24 =	vld.idx.msk [tilespmem:v37+s1+$0x0], $0xffff  }
0x121: {  	v15 =	vadd.f32 v31, v15;
	v10 =	vadd.f32 $0.0e+00, v10;
	v9 =	vmul.bf16 v14, v9;
	v14 =	vld.idx.msk [tilespmem:v29+s1+$0x0], $0xffff  }
0x122: {  	v5 =	vadd.f32 v5, v8;
	v22 =	vunpack.i.u.bf16.f32 v18;
	v18 =	vunpack.i.l.bf16.f32 v18;
	v17 =	vld.idx.msk [tilespmem:v17+s1+$0x0], $0xffff  }
0x123: {  	v8 =	vunpack.i.l.bf16.f32 v9;
	v21 =	vmul.bf16 v21, v32;
	v12 =	vadd.f32 v22, v12;
	v6 =	vld.idx.msk [tilespmem:v6+s1+$0x0], $0xffff  }
0x124: {  	v9 =	vunpack.i.u.bf16.f32 v9;
	v18 =	vadd.f32 v18, v23;
	v19 =	vmul.bf16 v19, v13;
	[tilespmem:s6+$0x0] =	vst v5  }
0x125: {  	v22 =	vunpack.i.u.bf16.f32 v11;
	v5 =	vunpack.i.u.bf16.f32 v21;
	v21 =	vunpack.i.l.bf16.f32 v21;
	v23 =	vld.idx.msk [tilespmem:v36+s1+$0x0], $0xffff  }
0x126: {  	v7 =	vadd.f32 v7, v15;
	v10 =	vadd.f32 v9, v10;
	v11 =	vunpack.i.u.bf16.f32 v19;
	v9 =	vld.idx.msk [tilespmem:v41+s1+$0x0], $0xffff  }
.Ltmp2:
0x127: {  	v16 =	vmul.bf16 v26, v16;
	v15 =	vmul.bf16 v14, v27;
	v13 =	vadd.f32 v11, v12;
	v12 =	vld.idx.msk [tilespmem:v25+s1+$0x0], $0xffff;
	(pc) =	sbr.rel @p0 .LBB2_7-.Ltmp2, $4  }
0x128: {  	v8 =	vadd.f32 v8, v20;
	v19 =	vunpack.i.l.bf16.f32 v19;
	v25 =	vadd.f32 v5, v10;
	v11 =	vld.idx.msk [tilespmem:v38+s1+$0x0], $0xffff;
	[tilespmem:s6+$0xFFFFFFF0] =	vst v7;
	s6 =	smov.u32 s7  }
0x129: {  	v20 =	vunpack.i.l.bf16.f32 v16;
	v10 =	vunpack.i.l.bf16.f32 v15;
	v5 =	vmul.bf16 v6, v17;
	v14 =	vld.idx.msk [tilespmem:v42+s1+$0x0], $0xffff  }
0x12a: {  	v17 =	vadd.f32 v22, v25;
	v22 =	vadd.f32 v19, v18;
	v18 =	vadd.s32 $0x11170, v3;
	v7 =	vld.idx.msk [tilespmem:v34+s1+$0x0], $0xffff  }
0x12b: {  	s17 =	sadd.s32 $0x20, s17;
	v19 =	vadd.f32 v21, v8;
	v6 =	vunpack.i.l.bf16.f32 v5;
	v21 =	vmul.bf16 v24, v23;
	v8 =	vld.idx.msk [tilespmem:v28+s1+$0x0], $0xffff  }
0x12c: {  	_ =	sdelay $0x3  }
0x12d: {  	v3 =	vunpack.i.u.bf16.f32 v15;
	v58 =	vld.idx.msk [tilespmem:v18+s1+$0x0], $0xffff  }
0x12e: {  	v57 =	vunpack.i.u.bf16.f32 v16;
	v59 =	vadd.f32 v20, v22;
	v0 =	vld.idx.msk [tilespmem:v0+s1+$0x0], $0xffff;
	v9 =	vmul.bf16 v9, v12  }
0x12f: {  	v1 =	vld.idx.msk [tilespmem:v1+s1+$0x0], $0xffff;
	v13 =	vadd.f32 v57, v13;
	v60 =	vunpack.i.u.bf16.f32 v21;
	v4 =	vadd.f32 v4, v19  }
0x130: {  	v2 =	vld.idx.msk [tilespmem:v2+s1+$0x0], $0xffff;
	v61 =	vunpack.i.l.bf16.f32 v21;
	v3 =	vadd.f32 v3, v17;
	v11 =	vmul.bf16 v14, v11  }
0x131: {  	v12 =	vadd.f32 v61, v59;
	v62 =	vunpack.i.u.bf16.f32 v9;
	v4 =	vadd.f32 v10, v4  }
0x132: {  	v9 =	vunpack.i.l.bf16.f32 v9;
	v13 =	vadd.f32 v60, v13;
	v14 =	vunpack.i.u.bf16.f32 v11  }
0x133: {  	v9 =	vadd.f32 v9, v12;
	v11 =	vunpack.i.l.bf16.f32 v11;
	v4 =	vadd.f32 v6, v4  }
0x134: {  	v6 =	vmul.bf16 v8, v7;
	v7 =	vadd.f32 v62, v13;
	v0 =	vmul.bf16 v1, v0  }
0x135: {  	v2 =	vmul.bf16 v58, v2;
	v1 =	vadd.f32 v11, v4;
	v4 =	vunpack.i.u.bf16.f32 v5  }
0x136: {  	v5 =	vunpack.i.l.bf16.f32 v0;
	v0 =	vunpack.i.u.bf16.f32 v0;
	v3 =	vadd.f32 v4, v3  }
0x137: {  	v4 =	vunpack.i.u.bf16.f32 v6;
	v5 =	vadd.f32 v5, v9;
	v0 =	vadd.f32 v0, v7  }
0x138: {  	v7 =	vunpack.i.l.bf16.f32 v2;
	v2 =	vunpack.i.u.bf16.f32 v2;
	v3 =	vadd.f32 v14, v3  }
0x139: {  	v6 =	vunpack.i.l.bf16.f32 v6;
	v5 =	vadd.f32 v7, v5;
	v0 =	vadd.f32 v2, v0  }
0x13a: {  	v1 =	vadd.f32 v6, v1;
	v2 =	vadd.f32 v4, v3  }
0x13b: {  	v0 =	vadd.f32 v5, v0  }
0x13c: {  	v1 =	vadd.f32 v1, v2  }
0x13d: {  	[tilespmem:s6+$0x0] =	vst v0  }
0x13e: {  	[tilespmem:s6+$0xFFFFFFF0] =	vst v1  }
0x13f: {  	[spmem:s15] =	stream.linear.scatter [tilespmem:s24], [sflag:$0x3], $0x1000, $0x38;
	[tilespmem:$0x1B980] =	vst v63  }
0x140: {  	_ =	swait.ge [sflag:s18], $0x1000  }
0x141: {  	[sflag:s18] =	ssyncset.done $0x0  }
0x142: {  	[sflag:s18] =	ssyncadd.s32 $0xFFFFF000  }
0x143: {  	[bflag:$0x0] =	sbarrier.arrive $0xFFFF  }
0x144: {  	[tilespmem:s28], [sflag:$0x3] =	stream.strided.gather [spmem:s16], $0x1000, s26, s25, $0x38;
	[tilespmem:$0x1B980] =	vst v63  }
0x145: {  	_ =	swait.ge [sflag:s18], $0x1000  }
0x146: {  	[sflag:s18] =	ssyncset.done $0x0  }
0x147: {  	s6 =	simm.s32 $0x0;
	[sflag:s18] =	ssyncadd.s32 $0xFFFFF000  }
0x148: {  	v0 =	vld [tilespmem:s6+$0x18880]  }
0x149: {  	v1 =	vld [tilespmem:s6+$0x18980];
	_ =	sdelay $0x1  }
0x14a: {  	v2 =	vld [tilespmem:s6+$0x18A80];
	_ =	sdelay $0x1  }
0x14b: {  	v3 =	vld [tilespmem:s6+$0x18B80]  }
0x14c: {  	v0 =	vadd.f32 v1, v0  }
0x14d: {  	v1 =	vld [tilespmem:s6+$0x18C80]  }
0x14e: {  	v0 =	vadd.f32 v2, v0  }
0x14f: {  	v2 =	vld [tilespmem:s6+$0x18D80]  }
0x150: {  	v0 =	vadd.f32 v3, v0  }
0x151: {  	v3 =	vld [tilespmem:s6+$0x18E80]  }
0x152: {  	v0 =	vadd.f32 v1, v0  }
0x153: {  	v1 =	vld [tilespmem:s6+$0x18F80]  }
0x154: {  	s7 =	simm.s32 $0x10;
	v4 =	vld [tilespmem:s6+$0x19080];
	v0 =	vadd.f32 v2, v0  }
0x155: {  	v5 =	vld [tilespmem:s7+$0x18880]  }
0x156: {  	v2 =	vld [tilespmem:s6+$0x19180];
	v0 =	vadd.f32 v3, v0  }
0x157: {  	v3 =	vld [tilespmem:s7+$0x18980]  }
0x158: {  	v6 =	vld [tilespmem:s7+$0x18A80];
	v0 =	vadd.f32 v1, v0  }
0x159: {  	v1 =	vld [tilespmem:s6+$0x19280]  }
0x15a: {  	v7 =	vld [tilespmem:s7+$0x18B80];
	v0 =	vadd.f32 v4, v0  }
0x15b: {  	v4 =	vld [tilespmem:s6+$0x19380]  }
0x15c: {  	v3 =	vadd.f32 v3, v5;
	v5 =	vld [tilespmem:s7+$0x18C80];
	v0 =	vadd.f32 v2, v0  }
0x15d: {  	v2 =	vld [tilespmem:s6+$0x19480]  }
0x15e: {  	v3 =	vadd.f32 v6, v3;
	v6 =	vld [tilespmem:s6+$0x19580];
	v0 =	vadd.f32 v1, v0  }
0x15f: {  	v1 =	vld [tilespmem:s7+$0x18D80]  }
0x160: {  	v8 =	vld [tilespmem:s7+$0x18E80];
	v3 =	vadd.f32 v7, v3;
	v0 =	vadd.f32 v4, v0  }
0x161: {  	v7 =	vld [tilespmem:s6+$0x19680]  }
0x162: {  	v4 =	vadd.f32 v5, v3;
	v3 =	vld [tilespmem:s7+$0x18F80];
	v2 =	vadd.f32 v2, v0  }
0x163: {  	s8 =	simm.s32 $0x20;
	v0 =	vld [tilespmem:s6+$0x19780]  }
0x164: {  	v5 =	vld [tilespmem:s8+$0x18880];
	v63 =	vadd.f32 v1, v4;
	v2 =	vadd.f32 v6, v2  }
0x165: {  	v4 =	vld [tilespmem:s7+$0x19080]  }
0x166: {  	s17 =	simm.s32 $0xC0;
	v1 =	vld [tilespmem:s7+$0x19180];
	v6 =	vadd.f32 v8, v63;
	v2 =	vadd.f32 v7, v2  }
.LBB2_9:
0x167: {  	p0 =	sne.s32 s17, $0x3C0;
	v7 =	vld [tilespmem:s8+$0x18980]  }
0x168: {  	v3 =	vadd.f32 v3, v6;
	v6 =	vld [tilespmem:s7+$0x19280];
	v0 =	vadd.f32 v0, v2  }
0x169: {  	v2 =	vld [tilespmem:s8+$0x18A80]  }
0x16a: {  	v3 =	vadd.f32 v4, v3;
	v4 =	vld [tilespmem:s7+$0x19380];
	[tilespmem:s6+$0x19880] =	vst v0;
	s6 =	smov.u32 s7;
	s7 =	smov.u32 s8  }
0x16b: {  	v0 =	vld [tilespmem:s7+$0x18B80]  }
0x16c: {  	v5 =	vadd.f32 v7, v5;
	v1 =	vadd.f32 v1, v3;
	v3 =	vld [tilespmem:s6+$0x19480]  }
0x16d: {  	v7 =	vld [tilespmem:s7+$0x18C80]  }
0x16e: {  	v2 =	vadd.f32 v2, v5;
	v1 =	vadd.f32 v6, v1;
	v5 =	vld [tilespmem:s6+$0x19580]  }
0x16f: {  	v6 =	vld [tilespmem:s7+$0x18D80]  }
0x170: {  	v0 =	vadd.f32 v0, v2;
	v1 =	vadd.f32 v4, v1;
	v2 =	vld [tilespmem:s6+$0x19680]  }
0x171: {  	v8 =	vld [tilespmem:s7+$0x18E80]  }
.Ltmp3:
0x172: {  	v4 =	vadd.f32 v7, v0;
	v7 =	vadd.f32 v3, v1;
	v0 =	vld [tilespmem:s6+$0x19780];
	(pc) =	sbr.rel @p0 .LBB2_9-.Ltmp3, $4  }
0x173: {  	v3 =	vld [tilespmem:s7+$0x18F80]  }
0x174: {  	v6 =	vadd.f32 v6, v4;
	v1 =	vld [tilespmem:s7+$0x19180];
	v7 =	vadd.f32 v5, v7  }
0x175: {  	s8 =	sshra.s32 s17, $0x2;
	v4 =	vld [tilespmem:s7+$0x19080]  }
0x176: {  	s17 =	sadd.s32 $0x40, s17;
	v5 =	vld [tilespmem:s8+$0x18880];
	v6 =	vadd.f32 v8, v6;
	v2 =	vadd.f32 v2, v7  }
0x177: {  	v7 =	vld [tilespmem:s8+$0x18980];
	_ =	sdelay $0x1  }
0x178: {  	v8 =	vld [tilespmem:s8+$0x18A80];
	_ =	sdelay $0x1  }
0x179: {  	v9 =	vld [tilespmem:s8+$0x18B80]  }
0x17a: {  	v5 =	vadd.f32 v7, v5  }
0x17b: {  	v44 =	vld [tilespmem:s8+$0x18C80]  }
0x17c: {  	v5 =	vadd.f32 v8, v5  }
0x17d: {  	v45 =	vld [tilespmem:s8+$0x18D80]  }
0x17e: {  	v5 =	vadd.f32 v9, v5  }
0x17f: {  	v46 =	vld [tilespmem:s8+$0x18E80]  }
0x180: {  	v5 =	vadd.f32 v44, v5  }
0x181: {  	v47 =	vld [tilespmem:s8+$0x18F80]  }
0x182: {  	v5 =	vadd.f32 v45, v5  }
0x183: {  	v48 =	vld [tilespmem:s8+$0x19080]  }
0x184: {  	v5 =	vadd.f32 v46, v5  }
0x185: {  	v49 =	vld [tilespmem:s8+$0x19180];
	v3 =	vadd.f32 v3, v6  }
0x186: {  	v50 =	vld [tilespmem:s7+$0x19280];
	v5 =	vadd.f32 v47, v5  }
0x187: {  	v51 =	vld [tilespmem:s8+$0x19280];
	v3 =	vadd.f32 v4, v3  }
0x188: {  	v52 =	vld [tilespmem:s7+$0x19380];
	v5 =	vadd.f32 v48, v5  }
0x189: {  	v53 =	vld [tilespmem:s8+$0x19380];
	v1 =	vadd.f32 v1, v3  }
0x18a: {  	v54 =	vld [tilespmem:s7+$0x19480];
	v5 =	vadd.f32 v49, v5  }
0x18b: {  	v55 =	vld [tilespmem:s8+$0x19480];
	v1 =	vadd.f32 v50, v1  }
0x18c: {  	v56 =	vld [tilespmem:s7+$0x19580];
	v4 =	vadd.f32 v51, v5  }
0x18d: {  	v57 =	vld [tilespmem:s8+$0x19580];
	v1 =	vadd.f32 v52, v1  }
0x18e: {  	v58 =	vld [tilespmem:s7+$0x19680];
	v3 =	vadd.f32 v53, v4  }
0x18f: {  	v59 =	vld [tilespmem:s8+$0x19680];
	v1 =	vadd.f32 v54, v1  }
0x190: {  	v60 =	vld [tilespmem:s7+$0x19780];
	v3 =	vadd.f32 v55, v3  }
0x191: {  	v61 =	vld [tilespmem:s8+$0x19780];
	v1 =	vadd.f32 v56, v1  }
0x192: {  	v3 =	vadd.f32 v57, v3  }
0x193: {  	v1 =	vadd.f32 v58, v1  }
0x194: {  	v0 =	vadd.f32 v0, v2;
	v62 =	vadd.f32 v59, v3  }
0x195: {  	v1 =	vadd.f32 v60, v1  }
0x196: {  	s2 =	sor.u32 s9, s2;
	s0 =	sadd.s32 $0x1, s0;
	[tilespmem:s6+$0x19880] =	vst v0;
	v63 =	vadd.f32 v61, v62  }
0x197: {  	s2 =	sshrl.u32 s2, $0x3;
	p0 =	sne.s32 s0, $0xA;
	[tilespmem:s7+$0x19880] =	vst v1  }
.Ltmp4:
0x198: {  	s2 =	sadd.s32 s5, s2;
	[tilespmem:s8+$0x19880] =	vst v63;
	(pc) =	sbr.rel @p0 .LBB2_2-.Ltmp4, $4  }
0x199: {  	[hbm4b:s2+s1] =	stream.linear.scatter [tilespmem:s29], [sflag:$0x3], $0x100, $0x38;
	[tilespmem:$0x1B980] =	vst v63  }
0x19a: {  	_ =	swait.ge [sflag:s18], $0x100  }
0x19b: {  	[sflag:s18] =	ssyncset.done $0x0  }
0x19c: {  	[sflag:s18] =	ssyncadd.s32 $0xFFFFFF00  }
0x19d: {  	s31 =	sadd.s32 $0x1, s31;
	s0 =	rddreg [dreg:$0x6]  }
0x19e: {  	p0 =	sne.s32 s31, s0  }
.Ltmp5:
0x19f: {  	_ = 	snop;
	(pc) =	sbr.rel @p0 .LBB2_1-.Ltmp5, $1  }
0x1a0: {  	_ =	sdelay $0x3  }
0x1a1: {  	_ =	sfence.sel $0x180000  }
0x1a2: {  	[bflag:$0x0] =	sbarrier.arrive $0xFFFF  }
0x1a3: {  	_ =	strace $0x90000047  }
0x1a4: {  	s0 =	stileid.u32;
	[bflag:$0x2] =	sbarrier.arrive $0xFFFF  }
0x1a5: {  	p0 =	sne.s32 s0, $0x0;
	s0 =	rddreg [dreg:$0x2]  }
0x1a6: {  	s0 =	sadd.s32 @!p0 $0x100000, s0  }
0x1a7: {  	[sflag:s0] =	ssyncadd.tile.s32 @!p0 $0x1;
	_ =	shalt  }
.Lfunc_end2:
_tile_overlayer_lowered:
.L_overlay_start_2:
0x1a8: {  	(tag) =	ssettag $0x2  }
0x1a9: {  	s0 =	rddreg [dreg:$0x0];
	s2 =	stileid.u32  }
0x1aa: {  	s1 =	rddreg [dreg:$0x1];
	p0 =	sne.s32 s2, $0x0  }
0x1ab: {  	s3 =	rddreg [dreg:$0x2];
	[bflag:$0x3] =	sbarrier.arrive $0xFFFF;
	s2 =	simm.s32 @!p0 $0x1C03  }
0x1ac: {  	[timem:s3], [sflag:s2] =	dma.local @!p0 [hbm:s0], s1  }
0x1ad: {  	s0 =	simm.s32 @!p0 $0x3  }
0x1ae: {  	_ =	swait.ge @!p0 [sflag:s0], s1  }
0x1af: {  	s1 =	ssub.s32 @!p0 $0x0, s1;
	[sflag:s0] =	ssyncset.done @!p0 $0x0  }
0x1b0: {  	[sflag:s0] =	ssyncadd.s32 @!p0 s1  }
0x1b1: {  	[bflag:$0x3] =	sbarrier.arrive $0xFFFF  }
0x1b2: {  	_ =	shalt  }

</sc_bundles>
